<compile_context>
chip_gen: v7x
topology: tpu7x:2x2x1
jax: 0.10.2.dev20260603
libtpu: 0.0.44.dev20260713+nightly
codegen_flags: <defaults>
</compile_context>

<pallas_src>
import functools

import jax
import jax.numpy as jnp
from jax import lax
from jax.experimental import pallas as pl
from jax.experimental.pallas import tpu as pltpu
from jax.experimental.pallas import tpu_sc as plsc

B = 4096
D = 32
N_SESS = 24
N_HIST = 2
L = 50
LP = 64
GPB = LP // 4
TGT_G = 14
ATT_HID = 36
AH4 = 4 * ATT_HID
H1, H2 = 256, 128

NC, NS = 2, 16
NW = NC * NS

TB = 256
NB = B // TB

N_MAIN = B * N_HIST * LP
N_SESS_IDX = B * N_SESS


def _sc_gather_all(main_idx, sess_idx, hist_tab, sess_tab):
    mp, sp = N_MAIN // NW, N_SESS_IDX // NW
    CH = 1024
    f32 = jnp.float32
    mesh = plsc.VectorSubcoreMesh(core_axis_name="c", subcore_axis_name="s")

    @functools.partial(
        pl.kernel, mesh=mesh,
        out_type=(jax.ShapeDtypeStruct((N_MAIN, D), f32),
                  jax.ShapeDtypeStruct((N_SESS_IDX, D), f32)),
        scratch_types=[pltpu.VMEM((mp,), jnp.int32),
                       pltpu.VMEM((CH, D), f32),
                       pltpu.VMEM((CH, D), f32),
                       pltpu.SemaphoreType.DMA,
                       pltpu.SemaphoreType.DMA],
        compiler_params=pltpu.CompilerParams(use_tc_tiling_on_sc=False),
    )
    def k(midx, sidx, htab, stab, m_out, s_out,
          idx_v, rows0, rows1, gs0, gs1):
        wid = lax.axis_index("s") * NC + lax.axis_index("c")
        bufs = (rows0, rows1)
        gsems = (gs0, gs1)

        def gather_stream(idx_hbm, tab, out, per, chunk):
            base = wid * per
            n = per // chunk
            pltpu.sync_copy(idx_hbm.at[pl.ds(base, per)],
                            idx_v.at[pl.ds(0, per)])

            def g_copy(j):
                return pltpu.make_async_copy(
                    tab.at[idx_v.at[pl.ds(j * chunk, chunk)]],
                    bufs[j % 2], gsems[j % 2])

            g_copy(0).start()
            for j in range(n):
                if j + 1 < n:
                    g_copy(j + 1).start()
                g_copy(j).wait()
                pltpu.sync_copy(bufs[j % 2],
                                out.at[pl.ds(base + j * chunk, chunk)])

        gather_stream(midx, htab, m_out, mp, CH)
        gather_stream(sidx, stab, s_out, sp, CH)

    return k(main_idx, sess_idx, hist_tab, sess_tab)


def _tc_dense(emb_m, emb_s, W4h, W4m, Wtq, ab1q, W2q, E4, F4,
              W1p, W1t0, W1t1, W1s, b1r, al1, W2, b2r, al2, W3, b3r):
    f32 = jnp.float32

    def body(m_ref, s_ref, W4h_ref, W4m_ref, Wtq_ref, ab1q_ref, W2q_ref,
             E4_ref, F4_ref, W1p_ref, W1t0_ref, W1t1_ref, W1s_ref,
             b1_ref, al1_ref, W2_ref, b2_ref, al2_ref, W3_ref, b3_ref,
             out_ref, x1_scr):
        i = pl.program_id(0)
        x1 = jnp.zeros((TB, H1), f32)
        sp3 = s_ref[...].reshape(TB, 6, 128)
        for j in range(6):
            x1 += jnp.dot(sp3[:, j, :], W1s_ref[pl.ds(j * 128, 128), :],
                          preferred_element_type=f32)
        mp3 = m_ref[...].reshape(TB, 2 * GPB, 128)
        for br in range(N_HIST):
            hp3 = mp3[:, br * GPB:(br + 1) * GPB, :]
            hpf = hp3.reshape(TB * GPB, 128)
            tpk = hp3[:, TGT_G, :]
            hmp = (hp3 * tpk[:, None, :]).reshape(TB * GPB, 128)
            a = jnp.dot(hpf, W4h_ref[br], preferred_element_type=f32)
            a += jnp.dot(hmp, W4m_ref[br], preferred_element_type=f32)
            tw4 = jnp.dot(tpk, Wtq_ref[br], preferred_element_type=f32)
            tw4 = tw4 + ab1q_ref[br]
            a3 = a.reshape(TB, GPB, AH4) + tw4[:, None, :]
            a3 = jnp.maximum(a3, 0.0)
            s = jnp.dot(a3.reshape(TB * GPB, AH4), W2q_ref[br],
                        preferred_element_type=f32)
            s3 = s.reshape(TB, GPB, 4)
            lidx = (lax.broadcasted_iota(jnp.int32, (TB, GPB, 4), 1) * 4
                    + lax.broadcasted_iota(jnp.int32, (TB, GPB, 4), 2))
            s3 = jnp.where(lidx < L, s3, -1e30)
            m1 = jnp.max(s3, axis=2, keepdims=True)
            m0 = jnp.max(m1, axis=1, keepdims=True)
            es = jnp.exp(s3 - m0)
            d1 = jnp.sum(es, axis=2, keepdims=True)
            d0 = jnp.sum(d1, axis=1, keepdims=True)
            w3 = es / d0
            wx = jnp.dot(w3.reshape(TB * GPB, 4), E4_ref[...],
                         preferred_element_type=f32)
            pf = jnp.dot(wx * hpf, F4_ref[...],
                         preferred_element_type=f32)
            pooled = jnp.sum(pf.reshape(TB, GPB, D), axis=1)
            x1 += jnp.dot(pooled, W1p_ref[br], preferred_element_type=f32)
            wt = W1t0_ref if br == 0 else W1t1_ref
            x1 += jnp.dot(tpk, wt[...], preferred_element_type=f32)
        x1 += b1_ref[...]
        x1_scr[pl.ds(i * TB, TB), :] = x1

        @pl.when(i == NB - 1)
        def _():
            eps = 1e-8
            x = x1_scr[...]
            m = jnp.sum(x, axis=0, keepdims=True) * (1.0 / B)
            v = jnp.sum((x - m) ** 2, axis=0, keepdims=True) * (1.0 / B)
            ps = jax.nn.sigmoid((x - m) * lax.rsqrt(v + eps))
            x = ps * x + (1.0 - ps) * al1_ref[...] * x
            x = jnp.dot(x, W2_ref[...], preferred_element_type=f32) + b2_ref[...]
            m2 = jnp.sum(x, axis=0, keepdims=True) * (1.0 / B)
            v2 = jnp.sum((x - m2) ** 2, axis=0, keepdims=True) * (1.0 / B)
            ps2 = jax.nn.sigmoid((x - m2) * lax.rsqrt(v2 + eps))
            x = ps2 * x + (1.0 - ps2) * al2_ref[...] * x
            y = jnp.dot(x, W3_ref[...], preferred_element_type=f32) + b3_ref[...]
            out_ref[...] = jax.nn.sigmoid(y)

    const = lambda shape: pl.BlockSpec(shape, lambda i: (0,) * len(shape))
    return pl.pallas_call(
        body,
        grid=(NB,),
        in_specs=[
            pl.BlockSpec((TB * 2 * GPB, 128), lambda i: (i, 0)),
            pl.BlockSpec((TB * 6, 128), lambda i: (i, 0)),
            const((N_HIST, 128, AH4)),
            const((N_HIST, 128, AH4)),
            const((N_HIST, 128, AH4)),
            const((N_HIST, 1, AH4)),
            const((N_HIST, AH4, 4)),
            const((4, 128)),
            const((128, D)),
            const((N_HIST, D, H1)),
            const((128, H1)),
            const((128, H1)),
            const((N_SESS * D, H1)),
            const((1, H1)),
            const((1, H1)),
            const((H1, H2)),
            const((1, H2)),
            const((1, H2)),
            const((H2, 1)),
            const((1, 1)),
        ],
        out_specs=pl.BlockSpec((B, 1), lambda i: (0, 0)),
        out_shape=jax.ShapeDtypeStruct((B, 1), f32),
        scratch_shapes=[pltpu.VMEM((B, H1), f32)],
        compiler_params=pltpu.CompilerParams(
            dimension_semantics=("arbitrary",)),
    )(emb_m, emb_s, W4h, W4m, Wtq, ab1q, W2q, E4, F4,
      W1p, W1t0, W1t1, W1s, b1r, al1, W2, b2r, al2, W3, b3r)


def _blockdiag4(w):
    z = jnp.zeros((N_HIST, D, ATT_HID), w.dtype)
    rows = []
    for g in range(4):
        blocks = [w if k == g else z for k in range(4)]
        rows.append(jnp.concatenate(blocks, axis=2))
    return jnp.concatenate(rows, axis=1)


def kernel(session_ids, history_ids, target_ids, session_table, hist_table,
           att_W1, att_b1, att_W2, att_b2,
           mlp_W1, mlp_b1, alpha1, mlp_W2, mlp_b2, alpha2, mlp_W3, mlp_b3):
    i32 = jnp.int32
    f32 = jnp.float32
    hist_ids = history_ids.astype(i32)
    tgt = target_ids.astype(i32)

    def _pad_ids(width, salt):
        pos = (lax.broadcasted_iota(i32, (B, N_HIST, width), 0) * 2 * width
               + lax.broadcasted_iota(i32, (B, N_HIST, width), 1) * width
               + lax.broadcasted_iota(i32, (B, N_HIST, width), 2) + salt)
        return (pos * 997) % 999999

    z6 = _pad_ids(6, 0)
    z4 = _pad_ids(4, 131071)
    tdup = jnp.broadcast_to(tgt[:, :, None], (B, N_HIST, 4))
    main_idx = jnp.concatenate([hist_ids, z6, tdup, z4], axis=2).reshape(-1)
    sess_idx = session_ids.astype(i32).reshape(-1)

    emb_m, emb_s = _sc_gather_all(main_idx, sess_idx, hist_table, session_table)
    emb_m4 = emb_m.reshape(N_MAIN // 4, 128)
    emb_s4 = emb_s.reshape(N_SESS_IDX // 4, 128)

    Wh = att_W1[:, 0:D] + att_W1[:, 2 * D:3 * D]
    Wt = att_W1[:, D:2 * D] - att_W1[:, 2 * D:3 * D]
    Wm = att_W1[:, 3 * D:4 * D]
    W4h = _blockdiag4(Wh)
    W4m = _blockdiag4(Wm)
    Wtq = jnp.concatenate(
        [jnp.concatenate([Wt] * 4, axis=2),
         jnp.zeros((N_HIST, 128 - D, AH4), f32)], axis=1)
    ab1q = jnp.concatenate([att_b1] * 4, axis=1).reshape(N_HIST, 1, AH4)
    w2 = att_W2[:, :, 0]
    eye4 = jnp.eye(4, dtype=f32)
    W2q = jnp.einsum('bh,gk->bghk', w2, eye4).reshape(N_HIST, AH4, 4)
    E4 = (lax.broadcasted_iota(i32, (4, 128), 1) // D
          == lax.broadcasted_iota(i32, (4, 128), 0)).astype(f32)
    F4 = (lax.broadcasted_iota(i32, (128, D), 0) % D
          == lax.broadcasted_iota(i32, (128, D), 1)).astype(f32)

    W1p = jnp.stack([mlp_W1[0:D], mlp_W1[D:2 * D]])
    W1s = mlp_W1[2 * D:2 * D + N_SESS * D]
    W1t0 = jnp.concatenate(
        [mlp_W1[2 * D + N_SESS * D:2 * D + N_SESS * D + D],
         jnp.zeros((128 - D, H1), f32)], axis=0)
    W1t1 = jnp.concatenate(
        [mlp_W1[2 * D + N_SESS * D + D:],
         jnp.zeros((128 - D, H1), f32)], axis=0)
    b1r = mlp_b1.reshape(1, H1)
    al1 = alpha1.reshape(1, H1)
    b2r = mlp_b2.reshape(1, H2)
    al2 = alpha2.reshape(1, H2)
    b3r = mlp_b3.reshape(1, 1)

    out = _tc_dense(emb_m4, emb_s4, W4h, W4m, Wtq, ab1q, W2q, E4, F4,
                    W1p, W1t0, W1t1, W1s, b1r, al1,
                    mlp_W2, b2r, al2, mlp_W3, b3r)
    return out.reshape(B)

# --- scband reference (transcript-rebuilt; emitter-appended) ---
"""Pipeline reference for scband-din-91182155694179 (READ-ONLY COPY).

The authoritative reference and input builder live on the scoring server;
editing this copy changes nothing except your own understanding.
"""

import jax, jax.numpy as jnp
import numpy as np

B = 4096
D = 32
N_SESS = 24
N_HIST = 2
L = 50
SESS_VOCAB = 100000
ITEM_VOCAB = 1000000
ATT_HID = 36
MLP_IN = N_HIST * D + N_SESS * D + N_HIST * D  # 896


def setup_inputs(seed: int = 0) -> dict:
    key = jax.random.key(seed)
    ks = jax.random.split(key, 16)
    session_ids = jax.random.randint(ks[0], (B, N_SESS), 0, SESS_VOCAB)
    history_ids = jax.random.randint(ks[1], (B, N_HIST, L), 0, ITEM_VOCAB)
    target_ids = jax.random.randint(ks[2], (B, N_HIST), 0, ITEM_VOCAB)
    session_table = jax.random.normal(ks[3], (SESS_VOCAB, D), dtype=jnp.float32) * 0.02
    hist_table = jax.random.normal(ks[4], (ITEM_VOCAB, D), dtype=jnp.float32) * 0.02
    att_W1 = jax.random.normal(ks[5], (N_HIST, 4 * D, ATT_HID), dtype=jnp.float32) * 0.05
    att_b1 = jnp.zeros((N_HIST, ATT_HID), dtype=jnp.float32)
    att_W2 = jax.random.normal(ks[6], (N_HIST, ATT_HID, 1), dtype=jnp.float32) * 0.05
    att_b2 = jnp.zeros((N_HIST, 1), dtype=jnp.float32)
    mlp_W1 = jax.random.normal(ks[7], (MLP_IN, 256), dtype=jnp.float32) * 0.02
    mlp_b1 = jnp.zeros((256,), dtype=jnp.float32)
    alpha1 = jnp.full((256,), 0.25, dtype=jnp.float32)
    mlp_W2 = jax.random.normal(ks[8], (256, 128), dtype=jnp.float32) * 0.05
    mlp_b2 = jnp.zeros((128,), dtype=jnp.float32)
    alpha2 = jnp.full((128,), 0.25, dtype=jnp.float32)
    mlp_W3 = jax.random.normal(ks[9], (128, 1), dtype=jnp.float32) * 0.05
    mlp_b3 = jnp.zeros((1,), dtype=jnp.float32)
    return {
        "session_ids": session_ids, "history_ids": history_ids, "target_ids": target_ids,
        "session_table": session_table, "hist_table": hist_table,
        "att_W1": att_W1, "att_b1": att_b1, "att_W2": att_W2, "att_b2": att_b2,
        "mlp_W1": mlp_W1, "mlp_b1": mlp_b1, "alpha1": alpha1,
        "mlp_W2": mlp_W2, "mlp_b2": mlp_b2, "alpha2": alpha2,
        "mlp_W3": mlp_W3, "mlp_b3": mlp_b3,
    }


def _dice(x, alpha, eps=1e-8):
    mean = jnp.mean(x, axis=0, keepdims=True)
    var = jnp.var(x, axis=0, keepdims=True)
    ps = jax.nn.sigmoid((x - mean) / jnp.sqrt(var + eps))
    return ps * x + (1.0 - ps) * alpha * x


def reference(session_ids, history_ids, target_ids, session_table, hist_table,
              att_W1, att_b1, att_W2, att_b2,
              mlp_W1, mlp_b1, alpha1, mlp_W2, mlp_b2, alpha2, mlp_W3, mlp_b3):
    b = session_ids.shape[0]
    emb_s = jnp.take(session_table, session_ids, axis=0)   # [B, 24, D]
    emb_h = jnp.take(hist_table, history_ids, axis=0)       # [B, 2, L, D]
    emb_t = jnp.take(hist_table, target_ids, axis=0)        # [B, 2, D]
    pooled = []
    for i in range(N_HIST):
        h = emb_h[:, i, :, :]                                # [B, L, D]
        t = emb_t[:, i, :][:, None, :]                       # [B, 1, D]
        tt = jnp.broadcast_to(t, h.shape)
        att_in = jnp.concatenate([h, tt, h - tt, h * tt], axis=-1)  # [B, L, 4D]
        a = jax.nn.relu(att_in @ att_W1[i] + att_b1[i])      # [B, L, H]
        scores = (a @ att_W2[i] + att_b2[i])[..., 0]         # [B, L]
        w = jax.nn.softmax(scores, axis=-1)
        pooled.append(jnp.sum(w[:, :, None] * h, axis=1))    # [B, D]
    att_pool = jnp.stack(pooled, axis=1)                     # [B, 2, D]
    mlp_in = jnp.concatenate([att_pool.reshape(b, -1), emb_s.reshape(b, -1), emb_t.reshape(b, -1)], axis=1)
    x = _dice(mlp_in @ mlp_W1 + mlp_b1, alpha1)
    x = _dice(x @ mlp_W2 + mlp_b2, alpha2)
    y = x @ mlp_W3 + mlp_b3                                  # [B, 1]
    return jax.nn.sigmoid(y[:, 0])

if __name__ == "__main__":
    import jax
    _d = setup_inputs()
    print(jax.jit(kernel)(*tuple(_d.values())))

</pallas_src>

<mosaic_0001>
#map = affine_map<(d0, d1) -> (0)>
#map1 = affine_map<(d0, d1) -> (0, 0)>
module attributes {stable_mosaic.version = 14 : i64} {
  func.func @k(%arg0: i32, %arg1: i32, %arg2: memref<524288xi32, #tpu.memory_space<hbm>>, %arg3: memref<98304xi32, #tpu.memory_space<hbm>>, %arg4: memref<1000000x32xf32, #tpu.memory_space<hbm>>, %arg5: memref<100000x32xf32, #tpu.memory_space<hbm>>, %arg6: memref<524288x32xf32, #tpu.memory_space<hbm>>, %arg7: memref<98304x32xf32, #tpu.memory_space<hbm>>, %arg8: memref<16384xi32, #tpu.memory_space<vmem>>, %arg9: memref<1024x32xf32, #tpu.memory_space<vmem>>, %arg10: memref<1024x32xf32, #tpu.memory_space<vmem>>, %arg11: memref<!tpu.dma_semaphore, #tpu.memory_space<semaphore_mem>>, %arg12: memref<!tpu.dma_semaphore, #tpu.memory_space<semaphore_mem>>) attributes {dimension_semantics = [#tpu.dimension_semantics<core_parallel>, #tpu.dimension_semantics<subcore_parallel>], iteration_bounds = array<i64: 2, 16>, scalar_prefetch = 0 : i64, scratch_operands = 5 : i64, tpu.core_type = #tpu.core_type<sc_vector_subcore>, window_params = [{transform_indices = #map}, {transform_indices = #map}, {transform_indices = #map1}, {transform_indices = #map1}, {transform_indices = #map1}, {transform_indices = #map1}]} {
    %mul3A = arith.constant 2 : i32
    %mul3A_0 = arith.muli %arg1, %mul3A : i32
    %add3A = arith.addi %mul3A_0, %arg0 : i32
    %mul3A_1 = arith.constant 16384 : i32
    %mul3A_2 = arith.muli %add3A, %mul3A_1 : i32
    "tpu.region"() ({
      %run_scoped3A = tpu.sem_alloc : memref<!tpu.dma_semaphore, #tpu.memory_space<semaphore_mem>>
      %dma_start3A_231 = arith.constant 0 : i32
      %dma_start3A_232 = tpu.memref_slice %arg8[%dma_start3A_231] : memref<16384xi32, #tpu.memory_space<vmem>> -> memref<16384xi32, #tpu.memory_space<vmem>>
      %dma_start3A_233 = tpu.memref_slice %arg2[%mul3A_2] : memref<524288xi32, #tpu.memory_space<hbm>> -> memref<16384xi32, #tpu.memory_space<hbm>>
      %dma_start3A_234 = arith.constant 0 : i32
      %dma_start3A_235 = tpu.memref_slice %arg8[%dma_start3A_234] : memref<16384xi32, #tpu.memory_space<vmem>> -> memref<16384xi32, #tpu.memory_space<vmem>>
      %dma_start3A_236 = tpu.memref_slice %arg2[%mul3A_2] : memref<524288xi32, #tpu.memory_space<hbm>> -> memref<16384xi32, #tpu.memory_space<hbm>>
      tpu.enqueue_dma source(%dma_start3A_236 : memref<16384xi32, #tpu.memory_space<hbm>>) target(%dma_start3A_235 : memref<16384xi32, #tpu.memory_space<vmem>>) target_semaphore(%run_scoped3A : memref<!tpu.dma_semaphore, #tpu.memory_space<semaphore_mem>>)
      %dma_wait3A_237 = arith.constant 0 : i32
      %dma_wait3A_238 = tpu.memref_slice %arg8[%dma_wait3A_237] : memref<16384xi32, #tpu.memory_space<vmem>> -> memref<16384xi32, #tpu.memory_space<vmem>>
      %dma_wait3A_239 = tpu.memref_slice %arg2[%mul3A_2] : memref<524288xi32, #tpu.memory_space<hbm>> -> memref<16384xi32, #tpu.memory_space<hbm>>
      %dma_wait3A_240 = arith.constant 0 : i32
      %dma_wait3A_241 = tpu.memref_slice %arg8[%dma_wait3A_240] : memref<16384xi32, #tpu.memory_space<vmem>> -> memref<16384xi32, #tpu.memory_space<vmem>>
      %dma_wait3A_242 = tpu.memref_slice %arg2[%mul3A_2] : memref<524288xi32, #tpu.memory_space<hbm>> -> memref<16384xi32, #tpu.memory_space<hbm>>
      tpu.wait_dma2 semaphore(%run_scoped3A : memref<!tpu.dma_semaphore, #tpu.memory_space<semaphore_mem>>) src(%dma_wait3A_242 : memref<16384xi32, #tpu.memory_space<hbm>>) dst(%dma_wait3A_241 : memref<16384xi32, #tpu.memory_space<vmem>>)
      tpu.yield
    }) : () -> ()
    %dma_start3A = arith.constant 0 : i32
    %dma_start3A_3 = tpu.memref_slice %arg8[%dma_start3A] : memref<16384xi32, #tpu.memory_space<vmem>> -> memref<1024xi32, #tpu.memory_space<vmem>>
    %dma_start3A_4 = arith.constant 0 : i32
    %dma_start3A_5 = arith.constant 0 : i32
    %dma_start3A_6 = tpu.memref_slice %arg4[%dma_start3A_4, %dma_start3A_5] : memref<1000000x32xf32, #tpu.memory_space<hbm>> -> memref<1000000x32xf32, #tpu.memory_space<hbm>>
    tpu.enqueue_indirect_dma source(%dma_start3A_6 : memref<1000000x32xf32, #tpu.memory_space<hbm>>) target(%arg9 : memref<1024x32xf32, #tpu.memory_space<vmem>>) offsets(%dma_start3A_3 : memref<1024xi32, #tpu.memory_space<vmem>>) semaphore(%arg11 : memref<!tpu.dma_semaphore, #tpu.memory_space<semaphore_mem>>)
    %dma_start3A_7 = arith.constant 1024 : i32
    %dma_start3A_8 = tpu.memref_slice %arg8[%dma_start3A_7] : memref<16384xi32, #tpu.memory_space<vmem>> -> memref<1024xi32, #tpu.memory_space<vmem>>
    %dma_start3A_9 = arith.constant 0 : i32
    %dma_start3A_10 = arith.constant 0 : i32
    %dma_start3A_11 = tpu.memref_slice %arg4[%dma_start3A_9, %dma_start3A_10] : memref<1000000x32xf32, #tpu.memory_space<hbm>> -> memref<1000000x32xf32, #tpu.memory_space<hbm>>
    tpu.enqueue_indirect_dma source(%dma_start3A_11 : memref<1000000x32xf32, #tpu.memory_space<hbm>>) target(%arg10 : memref<1024x32xf32, #tpu.memory_space<vmem>>) offsets(%dma_start3A_8 : memref<1024xi32, #tpu.memory_space<vmem>>) semaphore(%arg12 : memref<!tpu.dma_semaphore, #tpu.memory_space<semaphore_mem>>)
    %dma_wait3A = arith.constant 0 : i32
    %dma_wait3A_12 = tpu.memref_slice %arg8[%dma_wait3A] : memref<16384xi32, #tpu.memory_space<vmem>> -> memref<1024xi32, #tpu.memory_space<vmem>>
    %dma_wait3A_13 = arith.constant 0 : i32
    %dma_wait3A_14 = arith.constant 0 : i32
    %dma_wait3A_15 = tpu.memref_slice %arg4[%dma_wait3A_13, %dma_wait3A_14] : memref<1000000x32xf32, #tpu.memory_space<hbm>> -> memref<1000000x32xf32, #tpu.memory_space<hbm>>
    tpu.wait_indirect_dma semaphore(%arg11 : memref<!tpu.dma_semaphore, #tpu.memory_space<semaphore_mem>>) src(%dma_wait3A_15 : memref<1000000x32xf32, #tpu.memory_space<hbm>>) dst(%arg9 : memref<1024x32xf32, #tpu.memory_space<vmem>>)
    %add3A_16 = arith.constant 0 : i32
    %add3A_17 = arith.addi %mul3A_2, %add3A_16 : i32
    "tpu.region"() ({
      %run_scoped3A = tpu.sem_alloc : memref<!tpu.dma_semaphore, #tpu.memory_space<semaphore_mem>>
      %dma_start3A_231 = arith.constant 0 : i32
      %dma_start3A_232 = tpu.memref_slice %arg6[%add3A_17, %dma_start3A_231] : memref<524288x32xf32, #tpu.memory_space<hbm>> -> memref<1024x32xf32, #tpu.memory_space<hbm>>
      %dma_start3A_233 = arith.constant 0 : i32
      %dma_start3A_234 = tpu.memref_slice %arg6[%add3A_17, %dma_start3A_233] : memref<524288x32xf32, #tpu.memory_space<hbm>> -> memref<1024x32xf32, #tpu.memory_space<hbm>>
      tpu.enqueue_dma source(%arg9 : memref<1024x32xf32, #tpu.memory_space<vmem>>) target(%dma_start3A_234 : memref<1024x32xf32, #tpu.memory_space<hbm>>) target_semaphore(%run_scoped3A : memref<!tpu.dma_semaphore, #tpu.memory_space<semaphore_mem>>)
      %dma_wait3A_235 = arith.constant 0 : i32
      %dma_wait3A_236 = tpu.memref_slice %arg6[%add3A_17, %dma_wait3A_235] : memref<524288x32xf32, #tpu.memory_space<hbm>> -> memref<1024x32xf32, #tpu.memory_space<hbm>>
      %dma_wait3A_237 = arith.constant 0 : i32
      %dma_wait3A_238 = tpu.memref_slice %arg6[%add3A_17, %dma_wait3A_237] : memref<524288x32xf32, #tpu.memory_space<hbm>> -> memref<1024x32xf32, #tpu.memory_space<hbm>>
      tpu.wait_dma2 semaphore(%run_scoped3A : memref<!tpu.dma_semaphore, #tpu.memory_space<semaphore_mem>>) src(%arg9 : memref<1024x32xf32, #tpu.memory_space<vmem>>) dst(%dma_wait3A_238 : memref<1024x32xf32, #tpu.memory_space<hbm>>)
      tpu.yield
    }) : () -> ()
    %dma_start3A_18 = arith.constant 2048 : i32
    %dma_start3A_19 = tpu.memref_slice %arg8[%dma_start3A_18] : memref<16384xi32, #tpu.memory_space<vmem>> -> memref<1024xi32, #tpu.memory_space<vmem>>
    %dma_start3A_20 = arith.constant 0 : i32
    %dma_start3A_21 = arith.constant 0 : i32
    %dma_start3A_22 = tpu.memref_slice %arg4[%dma_start3A_20, %dma_start3A_21] : memref<1000000x32xf32, #tpu.memory_space<hbm>> -> memref<1000000x32xf32, #tpu.memory_space<hbm>>
    tpu.enqueue_indirect_dma source(%dma_start3A_22 : memref<1000000x32xf32, #tpu.memory_space<hbm>>) target(%arg9 : memref<1024x32xf32, #tpu.memory_space<vmem>>) offsets(%dma_start3A_19 : memref<1024xi32, #tpu.memory_space<vmem>>) semaphore(%arg11 : memref<!tpu.dma_semaphore, #tpu.memory_space<semaphore_mem>>)
    %dma_wait3A_23 = arith.constant 1024 : i32
    %dma_wait3A_24 = tpu.memref_slice %arg8[%dma_wait3A_23] : memref<16384xi32, #tpu.memory_space<vmem>> -> memref<1024xi32, #tpu.memory_space<vmem>>
    %dma_wait3A_25 = arith.constant 0 : i32
    %dma_wait3A_26 = arith.constant 0 : i32
    %dma_wait3A_27 = tpu.memref_slice %arg4[%dma_wait3A_25, %dma_wait3A_26] : memref<1000000x32xf32, #tpu.memory_space<hbm>> -> memref<1000000x32xf32, #tpu.memory_space<hbm>>
    tpu.wait_indirect_dma semaphore(%arg12 : memref<!tpu.dma_semaphore, #tpu.memory_space<semaphore_mem>>) src(%dma_wait3A_27 : memref<1000000x32xf32, #tpu.memory_space<hbm>>) dst(%arg10 : memref<1024x32xf32, #tpu.memory_space<vmem>>)
    %add3A_28 = arith.constant 1024 : i32
    %add3A_29 = arith.addi %mul3A_2, %add3A_28 : i32
    "tpu.region"() ({
      %run_scoped3A = tpu.sem_alloc : memref<!tpu.dma_semaphore, #tpu.memory_space<semaphore_mem>>
      %dma_start3A_231 = arith.constant 0 : i32
      %dma_start3A_232 = tpu.memref_slice %arg6[%add3A_29, %dma_start3A_231] : memref<524288x32xf32, #tpu.memory_space<hbm>> -> memref<1024x32xf32, #tpu.memory_space<hbm>>
      %dma_start3A_233 = arith.constant 0 : i32
      %dma_start3A_234 = tpu.memref_slice %arg6[%add3A_29, %dma_start3A_233] : memref<524288x32xf32, #tpu.memory_space<hbm>> -> memref<1024x32xf32, #tpu.memory_space<hbm>>
      tpu.enqueue_dma source(%arg10 : memref<1024x32xf32, #tpu.memory_space<vmem>>) target(%dma_start3A_234 : memref<1024x32xf32, #tpu.memory_space<hbm>>) target_semaphore(%run_scoped3A : memref<!tpu.dma_semaphore, #tpu.memory_space<semaphore_mem>>)
      %dma_wait3A_235 = arith.constant 0 : i32
      %dma_wait3A_236 = tpu.memref_slice %arg6[%add3A_29, %dma_wait3A_235] : memref<524288x32xf32, #tpu.memory_space<hbm>> -> memref<1024x32xf32, #tpu.memory_space<hbm>>
      %dma_wait3A_237 = arith.constant 0 : i32
      %dma_wait3A_238 = tpu.memref_slice %arg6[%add3A_29, %dma_wait3A_237] : memref<524288x32xf32, #tpu.memory_space<hbm>> -> memref<1024x32xf32, #tpu.memory_space<hbm>>
      tpu.wait_dma2 semaphore(%run_scoped3A : memref<!tpu.dma_semaphore, #tpu.memory_space<semaphore_mem>>) src(%arg10 : memref<1024x32xf32, #tpu.memory_space<vmem>>) dst(%dma_wait3A_238 : memref<1024x32xf32, #tpu.memory_space<hbm>>)
      tpu.yield
    }) : () -> ()
    %dma_start3A_30 = arith.constant 3072 : i32
    %dma_start3A_31 = tpu.memref_slice %arg8[%dma_start3A_30] : memref<16384xi32, #tpu.memory_space<vmem>> -> memref<1024xi32, #tpu.memory_space<vmem>>
    %dma_start3A_32 = arith.constant 0 : i32
    %dma_start3A_33 = arith.constant 0 : i32
    %dma_start3A_34 = tpu.memref_slice %arg4[%dma_start3A_32, %dma_start3A_33] : memref<1000000x32xf32, #tpu.memory_space<hbm>> -> memref<1000000x32xf32, #tpu.memory_space<hbm>>
    tpu.enqueue_indirect_dma source(%dma_start3A_34 : memref<1000000x32xf32, #tpu.memory_space<hbm>>) target(%arg10 : memref<1024x32xf32, #tpu.memory_space<vmem>>) offsets(%dma_start3A_31 : memref<1024xi32, #tpu.memory_space<vmem>>) semaphore(%arg12 : memref<!tpu.dma_semaphore, #tpu.memory_space<semaphore_mem>>)
    %dma_wait3A_35 = arith.constant 2048 : i32
    %dma_wait3A_36 = tpu.memref_slice %arg8[%dma_wait3A_35] : memref<16384xi32, #tpu.memory_space<vmem>> -> memref<1024xi32, #tpu.memory_space<vmem>>
    %dma_wait3A_37 = arith.constant 0 : i32
    %dma_wait3A_38 = arith.constant 0 : i32
    %dma_wait3A_39 = tpu.memref_slice %arg4[%dma_wait3A_37, %dma_wait3A_38] : memref<1000000x32xf32, #tpu.memory_space<hbm>> -> memref<1000000x32xf32, #tpu.memory_space<hbm>>
    tpu.wait_indirect_dma semaphore(%arg11 : memref<!tpu.dma_semaphore, #tpu.memory_space<semaphore_mem>>) src(%dma_wait3A_39 : memref<1000000x32xf32, #tpu.memory_space<hbm>>) dst(%arg9 : memref<1024x32xf32, #tpu.memory_space<vmem>>)
    %add3A_40 = arith.constant 2048 : i32
    %add3A_41 = arith.addi %mul3A_2, %add3A_40 : i32
    "tpu.region"() ({
      %run_scoped3A = tpu.sem_alloc : memref<!tpu.dma_semaphore, #tpu.memory_space<semaphore_mem>>
      %dma_start3A_231 = arith.constant 0 : i32
      %dma_start3A_232 = tpu.memref_slice %arg6[%add3A_41, %dma_start3A_231] : memref<524288x32xf32, #tpu.memory_space<hbm>> -> memref<1024x32xf32, #tpu.memory_space<hbm>>
      %dma_start3A_233 = arith.constant 0 : i32
      %dma_start3A_234 = tpu.memref_slice %arg6[%add3A_41, %dma_start3A_233] : memref<524288x32xf32, #tpu.memory_space<hbm>> -> memref<1024x32xf32, #tpu.memory_space<hbm>>
      tpu.enqueue_dma source(%arg9 : memref<1024x32xf32, #tpu.memory_space<vmem>>) target(%dma_start3A_234 : memref<1024x32xf32, #tpu.memory_space<hbm>>) target_semaphore(%run_scoped3A : memref<!tpu.dma_semaphore, #tpu.memory_space<semaphore_mem>>)
      %dma_wait3A_235 = arith.constant 0 : i32
      %dma_wait3A_236 = tpu.memref_slice %arg6[%add3A_41, %dma_wait3A_235] : memref<524288x32xf32, #tpu.memory_space<hbm>> -> memref<1024x32xf32, #tpu.memory_space<hbm>>
      %dma_wait3A_237 = arith.constant 0 : i32
      %dma_wait3A_238 = tpu.memref_slice %arg6[%add3A_41, %dma_wait3A_237] : memref<524288x32xf32, #tpu.memory_space<hbm>> -> memref<1024x32xf32, #tpu.memory_space<hbm>>
      tpu.wait_dma2 semaphore(%run_scoped3A : memref<!tpu.dma_semaphore, #tpu.memory_space<semaphore_mem>>) src(%arg9 : memref<1024x32xf32, #tpu.memory_space<vmem>>) dst(%dma_wait3A_238 : memref<1024x32xf32, #tpu.memory_space<hbm>>)
      tpu.yield
    }) : () -> ()
    %dma_start3A_42 = arith.constant 4096 : i32
    %dma_start3A_43 = tpu.memref_slice %arg8[%dma_start3A_42] : memref<16384xi32, #tpu.memory_space<vmem>> -> memref<1024xi32, #tpu.memory_space<vmem>>
    %dma_start3A_44 = arith.constant 0 : i32
    %dma_start3A_45 = arith.constant 0 : i32
    %dma_start3A_46 = tpu.memref_slice %arg4[%dma_start3A_44, %dma_start3A_45] : memref<1000000x32xf32, #tpu.memory_space<hbm>> -> memref<1000000x32xf32, #tpu.memory_space<hbm>>
    tpu.enqueue_indirect_dma source(%dma_start3A_46 : memref<1000000x32xf32, #tpu.memory_space<hbm>>) target(%arg9 : memref<1024x32xf32, #tpu.memory_space<vmem>>) offsets(%dma_start3A_43 : memref<1024xi32, #tpu.memory_space<vmem>>) semaphore(%arg11 : memref<!tpu.dma_semaphore, #tpu.memory_space<semaphore_mem>>)
    %dma_wait3A_47 = arith.constant 3072 : i32
    %dma_wait3A_48 = tpu.memref_slice %arg8[%dma_wait3A_47] : memref<16384xi32, #tpu.memory_space<vmem>> -> memref<1024xi32, #tpu.memory_space<vmem>>
    %dma_wait3A_49 = arith.constant 0 : i32
    %dma_wait3A_50 = arith.constant 0 : i32
    %dma_wait3A_51 = tpu.memref_slice %arg4[%dma_wait3A_49, %dma_wait3A_50] : memref<1000000x32xf32, #tpu.memory_space<hbm>> -> memref<1000000x32xf32, #tpu.memory_space<hbm>>
    tpu.wait_indirect_dma semaphore(%arg12 : memref<!tpu.dma_semaphore, #tpu.memory_space<semaphore_mem>>) src(%dma_wait3A_51 : memref<1000000x32xf32, #tpu.memory_space<hbm>>) dst(%arg10 : memref<1024x32xf32, #tpu.memory_space<vmem>>)
    %add3A_52 = arith.constant 3072 : i32
    %add3A_53 = arith.addi %mul3A_2, %add3A_52 : i32
    "tpu.region"() ({
      %run_scoped3A = tpu.sem_alloc : memref<!tpu.dma_semaphore, #tpu.memory_space<semaphore_mem>>
      %dma_start3A_231 = arith.constant 0 : i32
      %dma_start3A_232 = tpu.memref_slice %arg6[%add3A_53, %dma_start3A_231] : memref<524288x32xf32, #tpu.memory_space<hbm>> -> memref<1024x32xf32, #tpu.memory_space<hbm>>
      %dma_start3A_233 = arith.constant 0 : i32
      %dma_start3A_234 = tpu.memref_slice %arg6[%add3A_53, %dma_start3A_233] : memref<524288x32xf32, #tpu.memory_space<hbm>> -> memref<1024x32xf32, #tpu.memory_space<hbm>>
      tpu.enqueue_dma source(%arg10 : memref<1024x32xf32, #tpu.memory_space<vmem>>) target(%dma_start3A_234 : memref<1024x32xf32, #tpu.memory_space<hbm>>) target_semaphore(%run_scoped3A : memref<!tpu.dma_semaphore, #tpu.memory_space<semaphore_mem>>)
      %dma_wait3A_235 = arith.constant 0 : i32
      %dma_wait3A_236 = tpu.memref_slice %arg6[%add3A_53, %dma_wait3A_235] : memref<524288x32xf32, #tpu.memory_space<hbm>> -> memref<1024x32xf32, #tpu.memory_space<hbm>>
      %dma_wait3A_237 = arith.constant 0 : i32
      %dma_wait3A_238 = tpu.memref_slice %arg6[%add3A_53, %dma_wait3A_237] : memref<524288x32xf32, #tpu.memory_space<hbm>> -> memref<1024x32xf32, #tpu.memory_space<hbm>>
      tpu.wait_dma2 semaphore(%run_scoped3A : memref<!tpu.dma_semaphore, #tpu.memory_space<semaphore_mem>>) src(%arg10 : memref<1024x32xf32, #tpu.memory_space<vmem>>) dst(%dma_wait3A_238 : memref<1024x32xf32, #tpu.memory_space<hbm>>)
      tpu.yield
    }) : () -> ()
    %dma_start3A_54 = arith.constant 5120 : i32
    %dma_start3A_55 = tpu.memref_slice %arg8[%dma_start3A_54] : memref<16384xi32, #tpu.memory_space<vmem>> -> memref<1024xi32, #tpu.memory_space<vmem>>
    %dma_start3A_56 = arith.constant 0 : i32
    %dma_start3A_57 = arith.constant 0 : i32
    %dma_start3A_58 = tpu.memref_slice %arg4[%dma_start3A_56, %dma_start3A_57] : memref<1000000x32xf32, #tpu.memory_space<hbm>> -> memref<1000000x32xf32, #tpu.memory_space<hbm>>
    tpu.enqueue_indirect_dma source(%dma_start3A_58 : memref<1000000x32xf32, #tpu.memory_space<hbm>>) target(%arg10 : memref<1024x32xf32, #tpu.memory_space<vmem>>) offsets(%dma_start3A_55 : memref<1024xi32, #tpu.memory_space<vmem>>) semaphore(%arg12 : memref<!tpu.dma_semaphore, #tpu.memory_space<semaphore_mem>>)
    %dma_wait3A_59 = arith.constant 4096 : i32
    %dma_wait3A_60 = tpu.memref_slice %arg8[%dma_wait3A_59] : memref<16384xi32, #tpu.memory_space<vmem>> -> memref<1024xi32, #tpu.memory_space<vmem>>
    %dma_wait3A_61 = arith.constant 0 : i32
    %dma_wait3A_62 = arith.constant 0 : i32
    %dma_wait3A_63 = tpu.memref_slice %arg4[%dma_wait3A_61, %dma_wait3A_62] : memref<1000000x32xf32, #tpu.memory_space<hbm>> -> memref<1000000x32xf32, #tpu.memory_space<hbm>>
    tpu.wait_indirect_dma semaphore(%arg11 : memref<!tpu.dma_semaphore, #tpu.memory_space<semaphore_mem>>) src(%dma_wait3A_63 : memref<1000000x32xf32, #tpu.memory_space<hbm>>) dst(%arg9 : memref<1024x32xf32, #tpu.memory_space<vmem>>)
    %add3A_64 = arith.constant 4096 : i32
    %add3A_65 = arith.addi %mul3A_2, %add3A_64 : i32
    "tpu.region"() ({
      %run_scoped3A = tpu.sem_alloc : memref<!tpu.dma_semaphore, #tpu.memory_space<semaphore_mem>>
      %dma_start3A_231 = arith.constant 0 : i32
      %dma_start3A_232 = tpu.memref_slice %arg6[%add3A_65, %dma_start3A_231] : memref<524288x32xf32, #tpu.memory_space<hbm>> -> memref<1024x32xf32, #tpu.memory_space<hbm>>
      %dma_start3A_233 = arith.constant 0 : i32
      %dma_start3A_234 = tpu.memref_slice %arg6[%add3A_65, %dma_start3A_233] : memref<524288x32xf32, #tpu.memory_space<hbm>> -> memref<1024x32xf32, #tpu.memory_space<hbm>>
      tpu.enqueue_dma source(%arg9 : memref<1024x32xf32, #tpu.memory_space<vmem>>) target(%dma_start3A_234 : memref<1024x32xf32, #tpu.memory_space<hbm>>) target_semaphore(%run_scoped3A : memref<!tpu.dma_semaphore, #tpu.memory_space<semaphore_mem>>)
      %dma_wait3A_235 = arith.constant 0 : i32
      %dma_wait3A_236 = tpu.memref_slice %arg6[%add3A_65, %dma_wait3A_235] : memref<524288x32xf32, #tpu.memory_space<hbm>> -> memref<1024x32xf32, #tpu.memory_space<hbm>>
      %dma_wait3A_237 = arith.constant 0 : i32
      %dma_wait3A_238 = tpu.memref_slice %arg6[%add3A_65, %dma_wait3A_237] : memref<524288x32xf32, #tpu.memory_space<hbm>> -> memref<1024x32xf32, #tpu.memory_space<hbm>>
      tpu.wait_dma2 semaphore(%run_scoped3A : memref<!tpu.dma_semaphore, #tpu.memory_space<semaphore_mem>>) src(%arg9 : memref<1024x32xf32, #tpu.memory_space<vmem>>) dst(%dma_wait3A_238 : memref<1024x32xf32, #tpu.memory_space<hbm>>)
      tpu.yield
    }) : () -> ()
    %dma_start3A_66 = arith.constant 6144 : i32
    %dma_start3A_67 = tpu.memref_slice %arg8[%dma_start3A_66] : memref<16384xi32, #tpu.memory_space<vmem>> -> memref<1024xi32, #tpu.memory_space<vmem>>
    %dma_start3A_68 = arith.constant 0 : i32
    %dma_start3A_69 = arith.constant 0 : i32
    %dma_start3A_70 = tpu.memref_slice %arg4[%dma_start3A_68, %dma_start3A_69] : memref<1000000x32xf32, #tpu.memory_space<hbm>> -> memref<1000000x32xf32, #tpu.memory_space<hbm>>
    tpu.enqueue_indirect_dma source(%dma_start3A_70 : memref<1000000x32xf32, #tpu.memory_space<hbm>>) target(%arg9 : memref<1024x32xf32, #tpu.memory_space<vmem>>) offsets(%dma_start3A_67 : memref<1024xi32, #tpu.memory_space<vmem>>) semaphore(%arg11 : memref<!tpu.dma_semaphore, #tpu.memory_space<semaphore_mem>>)
    %dma_wait3A_71 = arith.constant 5120 : i32
    %dma_wait3A_72 = tpu.memref_slice %arg8[%dma_wait3A_71] : memref<16384xi32, #tpu.memory_space<vmem>> -> memref<1024xi32, #tpu.memory_space<vmem>>
    %dma_wait3A_73 = arith.constant 0 : i32
    %dma_wait3A_74 = arith.constant 0 : i32
    %dma_wait3A_75 = tpu.memref_slice %arg4[%dma_wait3A_73, %dma_wait3A_74] : memref<1000000x32xf32, #tpu.memory_space<hbm>> -> memref<1000000x32xf32, #tpu.memory_space<hbm>>
    tpu.wait_indirect_dma semaphore(%arg12 : memref<!tpu.dma_semaphore, #tpu.memory_space<semaphore_mem>>) src(%dma_wait3A_75 : memref<1000000x32xf32, #tpu.memory_space<hbm>>) dst(%arg10 : memref<1024x32xf32, #tpu.memory_space<vmem>>)
    %add3A_76 = arith.constant 5120 : i32
    %add3A_77 = arith.addi %mul3A_2, %add3A_76 : i32
    "tpu.region"() ({
      %run_scoped3A = tpu.sem_alloc : memref<!tpu.dma_semaphore, #tpu.memory_space<semaphore_mem>>
      %dma_start3A_231 = arith.constant 0 : i32
      %dma_start3A_232 = tpu.memref_slice %arg6[%add3A_77, %dma_start3A_231] : memref<524288x32xf32, #tpu.memory_space<hbm>> -> memref<1024x32xf32, #tpu.memory_space<hbm>>
      %dma_start3A_233 = arith.constant 0 : i32
      %dma_start3A_234 = tpu.memref_slice %arg6[%add3A_77, %dma_start3A_233] : memref<524288x32xf32, #tpu.memory_space<hbm>> -> memref<1024x32xf32, #tpu.memory_space<hbm>>
      tpu.enqueue_dma source(%arg10 : memref<1024x32xf32, #tpu.memory_space<vmem>>) target(%dma_start3A_234 : memref<1024x32xf32, #tpu.memory_space<hbm>>) target_semaphore(%run_scoped3A : memref<!tpu.dma_semaphore, #tpu.memory_space<semaphore_mem>>)
      %dma_wait3A_235 = arith.constant 0 : i32
      %dma_wait3A_236 = tpu.memref_slice %arg6[%add3A_77, %dma_wait3A_235] : memref<524288x32xf32, #tpu.memory_space<hbm>> -> memref<1024x32xf32, #tpu.memory_space<hbm>>
      %dma_wait3A_237 = arith.constant 0 : i32
      %dma_wait3A_238 = tpu.memref_slice %arg6[%add3A_77, %dma_wait3A_237] : memref<524288x32xf32, #tpu.memory_space<hbm>> -> memref<1024x32xf32, #tpu.memory_space<hbm>>
      tpu.wait_dma2 semaphore(%run_scoped3A : memref<!tpu.dma_semaphore, #tpu.memory_space<semaphore_mem>>) src(%arg10 : memref<1024x32xf32, #tpu.memory_space<vmem>>) dst(%dma_wait3A_238 : memref<1024x32xf32, #tpu.memory_space<hbm>>)
      tpu.yield
    }) : () -> ()
    %dma_start3A_78 = arith.constant 7168 : i32
    %dma_start3A_79 = tpu.memref_slice %arg8[%dma_start3A_78] : memref<16384xi32, #tpu.memory_space<vmem>> -> memref<1024xi32, #tpu.memory_space<vmem>>
    %dma_start3A_80 = arith.constant 0 : i32
    %dma_start3A_81 = arith.constant 0 : i32
    %dma_start3A_82 = tpu.memref_slice %arg4[%dma_start3A_80, %dma_start3A_81] : memref<1000000x32xf32, #tpu.memory_space<hbm>> -> memref<1000000x32xf32, #tpu.memory_space<hbm>>
    tpu.enqueue_indirect_dma source(%dma_start3A_82 : memref<1000000x32xf32, #tpu.memory_space<hbm>>) target(%arg10 : memref<1024x32xf32, #tpu.memory_space<vmem>>) offsets(%dma_start3A_79 : memref<1024xi32, #tpu.memory_space<vmem>>) semaphore(%arg12 : memref<!tpu.dma_semaphore, #tpu.memory_space<semaphore_mem>>)
    %dma_wait3A_83 = arith.constant 6144 : i32
    %dma_wait3A_84 = tpu.memref_slice %arg8[%dma_wait3A_83] : memref<16384xi32, #tpu.memory_space<vmem>> -> memref<1024xi32, #tpu.memory_space<vmem>>
    %dma_wait3A_85 = arith.constant 0 : i32
    %dma_wait3A_86 = arith.constant 0 : i32
    %dma_wait3A_87 = tpu.memref_slice %arg4[%dma_wait3A_85, %dma_wait3A_86] : memref<1000000x32xf32, #tpu.memory_space<hbm>> -> memref<1000000x32xf32, #tpu.memory_space<hbm>>
    tpu.wait_indirect_dma semaphore(%arg11 : memref<!tpu.dma_semaphore, #tpu.memory_space<semaphore_mem>>) src(%dma_wait3A_87 : memref<1000000x32xf32, #tpu.memory_space<hbm>>) dst(%arg9 : memref<1024x32xf32, #tpu.memory_space<vmem>>)
    %add3A_88 = arith.constant 6144 : i32
    %add3A_89 = arith.addi %mul3A_2, %add3A_88 : i32
    "tpu.region"() ({
      %run_scoped3A = tpu.sem_alloc : memref<!tpu.dma_semaphore, #tpu.memory_space<semaphore_mem>>
      %dma_start3A_231 = arith.constant 0 : i32
      %dma_start3A_232 = tpu.memref_slice %arg6[%add3A_89, %dma_start3A_231] : memref<524288x32xf32, #tpu.memory_space<hbm>> -> memref<1024x32xf32, #tpu.memory_space<hbm>>
      %dma_start3A_233 = arith.constant 0 : i32
      %dma_start3A_234 = tpu.memref_slice %arg6[%add3A_89, %dma_start3A_233] : memref<524288x32xf32, #tpu.memory_space<hbm>> -> memref<1024x32xf32, #tpu.memory_space<hbm>>
      tpu.enqueue_dma source(%arg9 : memref<1024x32xf32, #tpu.memory_space<vmem>>) target(%dma_start3A_234 : memref<1024x32xf32, #tpu.memory_space<hbm>>) target_semaphore(%run_scoped3A : memref<!tpu.dma_semaphore, #tpu.memory_space<semaphore_mem>>)
      %dma_wait3A_235 = arith.constant 0 : i32
      %dma_wait3A_236 = tpu.memref_slice %arg6[%add3A_89, %dma_wait3A_235] : memref<524288x32xf32, #tpu.memory_space<hbm>> -> memref<1024x32xf32, #tpu.memory_space<hbm>>
      %dma_wait3A_237 = arith.constant 0 : i32
      %dma_wait3A_238 = tpu.memref_slice %arg6[%add3A_89, %dma_wait3A_237] : memref<524288x32xf32, #tpu.memory_space<hbm>> -> memref<1024x32xf32, #tpu.memory_space<hbm>>
      tpu.wait_dma2 semaphore(%run_scoped3A : memref<!tpu.dma_semaphore, #tpu.memory_space<semaphore_mem>>) src(%arg9 : memref<1024x32xf32, #tpu.memory_space<vmem>>) dst(%dma_wait3A_238 : memref<1024x32xf32, #tpu.memory_space<hbm>>)
      tpu.yield
    }) : () -> ()
    %dma_start3A_90 = arith.constant 8192 : i32
    %dma_start3A_91 = tpu.memref_slice %arg8[%dma_start3A_90] : memref<16384xi32, #tpu.memory_space<vmem>> -> memref<1024xi32, #tpu.memory_space<vmem>>
    %dma_start3A_92 = arith.constant 0 : i32
    %dma_start3A_93 = arith.constant 0 : i32
    %dma_start3A_94 = tpu.memref_slice %arg4[%dma_start3A_92, %dma_start3A_93] : memref<1000000x32xf32, #tpu.memory_space<hbm>> -> memref<1000000x32xf32, #tpu.memory_space<hbm>>
    tpu.enqueue_indirect_dma source(%dma_start3A_94 : memref<1000000x32xf32, #tpu.memory_space<hbm>>) target(%arg9 : memref<1024x32xf32, #tpu.memory_space<vmem>>) offsets(%dma_start3A_91 : memref<1024xi32, #tpu.memory_space<vmem>>) semaphore(%arg11 : memref<!tpu.dma_semaphore, #tpu.memory_space<semaphore_mem>>)
    %dma_wait3A_95 = arith.constant 7168 : i32
    %dma_wait3A_96 = tpu.memref_slice %arg8[%dma_wait3A_95] : memref<16384xi32, #tpu.memory_space<vmem>> -> memref<1024xi32, #tpu.memory_space<vmem>>
    %dma_wait3A_97 = arith.constant 0 : i32
    %dma_wait3A_98 = arith.constant 0 : i32
    %dma_wait3A_99 = tpu.memref_slice %arg4[%dma_wait3A_97, %dma_wait3A_98] : memref<1000000x32xf32, #tpu.memory_space<hbm>> -> memref<1000000x32xf32, #tpu.memory_space<hbm>>
    tpu.wait_indirect_dma semaphore(%arg12 : memref<!tpu.dma_semaphore, #tpu.memory_space<semaphore_mem>>) src(%dma_wait3A_99 : memref<1000000x32xf32, #tpu.memory_space<hbm>>) dst(%arg10 : memref<1024x32xf32, #tpu.memory_space<vmem>>)
    %add3A_100 = arith.constant 7168 : i32
    %add3A_101 = arith.addi %mul3A_2, %add3A_100 : i32
    "tpu.region"() ({
      %run_scoped3A = tpu.sem_alloc : memref<!tpu.dma_semaphore, #tpu.memory_space<semaphore_mem>>
      %dma_start3A_231 = arith.constant 0 : i32
      %dma_start3A_232 = tpu.memref_slice %arg6[%add3A_101, %dma_start3A_231] : memref<524288x32xf32, #tpu.memory_space<hbm>> -> memref<1024x32xf32, #tpu.memory_space<hbm>>
      %dma_start3A_233 = arith.constant 0 : i32
      %dma_start3A_234 = tpu.memref_slice %arg6[%add3A_101, %dma_start3A_233] : memref<524288x32xf32, #tpu.memory_space<hbm>> -> memref<1024x32xf32, #tpu.memory_space<hbm>>
      tpu.enqueue_dma source(%arg10 : memref<1024x32xf32, #tpu.memory_space<vmem>>) target(%dma_start3A_234 : memref<1024x32xf32, #tpu.memory_space<hbm>>) target_semaphore(%run_scoped3A : memref<!tpu.dma_semaphore, #tpu.memory_space<semaphore_mem>>)
      %dma_wait3A_235 = arith.constant 0 : i32
      %dma_wait3A_236 = tpu.memref_slice %arg6[%add3A_101, %dma_wait3A_235] : memref<524288x32xf32, #tpu.memory_space<hbm>> -> memref<1024x32xf32, #tpu.memory_space<hbm>>
      %dma_wait3A_237 = arith.constant 0 : i32
      %dma_wait3A_238 = tpu.memref_slice %arg6[%add3A_101, %dma_wait3A_237] : memref<524288x32xf32, #tpu.memory_space<hbm>> -> memref<1024x32xf32, #tpu.memory_space<hbm>>
      tpu.wait_dma2 semaphore(%run_scoped3A : memref<!tpu.dma_semaphore, #tpu.memory_space<semaphore_mem>>) src(%arg10 : memref<1024x32xf32, #tpu.memory_space<vmem>>) dst(%dma_wait3A_238 : memref<1024x32xf32, #tpu.memory_space<hbm>>)
      tpu.yield
    }) : () -> ()
    %dma_start3A_102 = arith.constant 9216 : i32
    %dma_start3A_103 = tpu.memref_slice %arg8[%dma_start3A_102] : memref<16384xi32, #tpu.memory_space<vmem>> -> memref<1024xi32, #tpu.memory_space<vmem>>
    %dma_start3A_104 = arith.constant 0 : i32
    %dma_start3A_105 = arith.constant 0 : i32
    %dma_start3A_106 = tpu.memref_slice %arg4[%dma_start3A_104, %dma_start3A_105] : memref<1000000x32xf32, #tpu.memory_space<hbm>> -> memref<1000000x32xf32, #tpu.memory_space<hbm>>
    tpu.enqueue_indirect_dma source(%dma_start3A_106 : memref<1000000x32xf32, #tpu.memory_space<hbm>>) target(%arg10 : memref<1024x32xf32, #tpu.memory_space<vmem>>) offsets(%dma_start3A_103 : memref<1024xi32, #tpu.memory_space<vmem>>) semaphore(%arg12 : memref<!tpu.dma_semaphore, #tpu.memory_space<semaphore_mem>>)
    %dma_wait3A_107 = arith.constant 8192 : i32
    %dma_wait3A_108 = tpu.memref_slice %arg8[%dma_wait3A_107] : memref<16384xi32, #tpu.memory_space<vmem>> -> memref<1024xi32, #tpu.memory_space<vmem>>
    %dma_wait3A_109 = arith.constant 0 : i32
    %dma_wait3A_110 = arith.constant 0 : i32
    %dma_wait3A_111 = tpu.memref_slice %arg4[%dma_wait3A_109, %dma_wait3A_110] : memref<1000000x32xf32, #tpu.memory_space<hbm>> -> memref<1000000x32xf32, #tpu.memory_space<hbm>>
    tpu.wait_indirect_dma semaphore(%arg11 : memref<!tpu.dma_semaphore, #tpu.memory_space<semaphore_mem>>) src(%dma_wait3A_111 : memref<1000000x32xf32, #tpu.memory_space<hbm>>) dst(%arg9 : memref<1024x32xf32, #tpu.memory_space<vmem>>)
    %add3A_112 = arith.constant 8192 : i32
    %add3A_113 = arith.addi %mul3A_2, %add3A_112 : i32
    "tpu.region"() ({
      %run_scoped3A = tpu.sem_alloc : memref<!tpu.dma_semaphore, #tpu.memory_space<semaphore_mem>>
      %dma_start3A_231 = arith.constant 0 : i32
      %dma_start3A_232 = tpu.memref_slice %arg6[%add3A_113, %dma_start3A_231] : memref<524288x32xf32, #tpu.memory_space<hbm>> -> memref<1024x32xf32, #tpu.memory_space<hbm>>
      %dma_start3A_233 = arith.constant 0 : i32
      %dma_start3A_234 = tpu.memref_slice %arg6[%add3A_113, %dma_start3A_233] : memref<524288x32xf32, #tpu.memory_space<hbm>> -> memref<1024x32xf32, #tpu.memory_space<hbm>>
      tpu.enqueue_dma source(%arg9 : memref<1024x32xf32, #tpu.memory_space<vmem>>) target(%dma_start3A_234 : memref<1024x32xf32, #tpu.memory_space<hbm>>) target_semaphore(%run_scoped3A : memref<!tpu.dma_semaphore, #tpu.memory_space<semaphore_mem>>)
      %dma_wait3A_235 = arith.constant 0 : i32
      %dma_wait3A_236 = tpu.memref_slice %arg6[%add3A_113, %dma_wait3A_235] : memref<524288x32xf32, #tpu.memory_space<hbm>> -> memref<1024x32xf32, #tpu.memory_space<hbm>>
      %dma_wait3A_237 = arith.constant 0 : i32
      %dma_wait3A_238 = tpu.memref_slice %arg6[%add3A_113, %dma_wait3A_237] : memref<524288x32xf32, #tpu.memory_space<hbm>> -> memref<1024x32xf32, #tpu.memory_space<hbm>>
      tpu.wait_dma2 semaphore(%run_scoped3A : memref<!tpu.dma_semaphore, #tpu.memory_space<semaphore_mem>>) src(%arg9 : memref<1024x32xf32, #tpu.memory_space<vmem>>) dst(%dma_wait3A_238 : memref<1024x32xf32, #tpu.memory_space<hbm>>)
      tpu.yield
    }) : () -> ()
    %dma_start3A_114 = arith.constant 10240 : i32
    %dma_start3A_115 = tpu.memref_slice %arg8[%dma_start3A_114] : memref<16384xi32, #tpu.memory_space<vmem>> -> memref<1024xi32, #tpu.memory_space<vmem>>
    %dma_start3A_116 = arith.constant 0 : i32
    %dma_start3A_117 = arith.constant 0 : i32
    %dma_start3A_118 = tpu.memref_slice %arg4[%dma_start3A_116, %dma_start3A_117] : memref<1000000x32xf32, #tpu.memory_space<hbm>> -> memref<1000000x32xf32, #tpu.memory_space<hbm>>
    tpu.enqueue_indirect_dma source(%dma_start3A_118 : memref<1000000x32xf32, #tpu.memory_space<hbm>>) target(%arg9 : memref<1024x32xf32, #tpu.memory_space<vmem>>) offsets(%dma_start3A_115 : memref<1024xi32, #tpu.memory_space<vmem>>) semaphore(%arg11 : memref<!tpu.dma_semaphore, #tpu.memory_space<semaphore_mem>>)
    %dma_wait3A_119 = arith.constant 9216 : i32
    %dma_wait3A_120 = tpu.memref_slice %arg8[%dma_wait3A_119] : memref<16384xi32, #tpu.memory_space<vmem>> -> memref<1024xi32, #tpu.memory_space<vmem>>
    %dma_wait3A_121 = arith.constant 0 : i32
    %dma_wait3A_122 = arith.constant 0 : i32
    %dma_wait3A_123 = tpu.memref_slice %arg4[%dma_wait3A_121, %dma_wait3A_122] : memref<1000000x32xf32, #tpu.memory_space<hbm>> -> memref<1000000x32xf32, #tpu.memory_space<hbm>>
    tpu.wait_indirect_dma semaphore(%arg12 : memref<!tpu.dma_semaphore, #tpu.memory_space<semaphore_mem>>) src(%dma_wait3A_123 : memref<1000000x32xf32, #tpu.memory_space<hbm>>) dst(%arg10 : memref<1024x32xf32, #tpu.memory_space<vmem>>)
    %add3A_124 = arith.constant 9216 : i32
    %add3A_125 = arith.addi %mul3A_2, %add3A_124 : i32
    "tpu.region"() ({
      %run_scoped3A = tpu.sem_alloc : memref<!tpu.dma_semaphore, #tpu.memory_space<semaphore_mem>>
      %dma_start3A_231 = arith.constant 0 : i32
      %dma_start3A_232 = tpu.memref_slice %arg6[%add3A_125, %dma_start3A_231] : memref<524288x32xf32, #tpu.memory_space<hbm>> -> memref<1024x32xf32, #tpu.memory_space<hbm>>
      %dma_start3A_233 = arith.constant 0 : i32
      %dma_start3A_234 = tpu.memref_slice %arg6[%add3A_125, %dma_start3A_233] : memref<524288x32xf32, #tpu.memory_space<hbm>> -> memref<1024x32xf32, #tpu.memory_space<hbm>>
      tpu.enqueue_dma source(%arg10 : memref<1024x32xf32, #tpu.memory_space<vmem>>) target(%dma_start3A_234 : memref<1024x32xf32, #tpu.memory_space<hbm>>) target_semaphore(%run_scoped3A : memref<!tpu.dma_semaphore, #tpu.memory_space<semaphore_mem>>)
      %dma_wait3A_235 = arith.constant 0 : i32
      %dma_wait3A_236 = tpu.memref_slice %arg6[%add3A_125, %dma_wait3A_235] : memref<524288x32xf32, #tpu.memory_space<hbm>> -> memref<1024x32xf32, #tpu.memory_space<hbm>>
      %dma_wait3A_237 = arith.constant 0 : i32
      %dma_wait3A_238 = tpu.memref_slice %arg6[%add3A_125, %dma_wait3A_237] : memref<524288x32xf32, #tpu.memory_space<hbm>> -> memref<1024x32xf32, #tpu.memory_space<hbm>>
      tpu.wait_dma2 semaphore(%run_scoped3A : memref<!tpu.dma_semaphore, #tpu.memory_space<semaphore_mem>>) src(%arg10 : memref<1024x32xf32, #tpu.memory_space<vmem>>) dst(%dma_wait3A_238 : memref<1024x32xf32, #tpu.memory_space<hbm>>)
      tpu.yield
    }) : () -> ()
    %dma_start3A_126 = arith.constant 11264 : i32
    %dma_start3A_127 = tpu.memref_slice %arg8[%dma_start3A_126] : memref<16384xi32, #tpu.memory_space<vmem>> -> memref<1024xi32, #tpu.memory_space<vmem>>
    %dma_start3A_128 = arith.constant 0 : i32
    %dma_start3A_129 = arith.constant 0 : i32
    %dma_start3A_130 = tpu.memref_slice %arg4[%dma_start3A_128, %dma_start3A_129] : memref<1000000x32xf32, #tpu.memory_space<hbm>> -> memref<1000000x32xf32, #tpu.memory_space<hbm>>
    tpu.enqueue_indirect_dma source(%dma_start3A_130 : memref<1000000x32xf32, #tpu.memory_space<hbm>>) target(%arg10 : memref<1024x32xf32, #tpu.memory_space<vmem>>) offsets(%dma_start3A_127 : memref<1024xi32, #tpu.memory_space<vmem>>) semaphore(%arg12 : memref<!tpu.dma_semaphore, #tpu.memory_space<semaphore_mem>>)
    %dma_wait3A_131 = arith.constant 10240 : i32
    %dma_wait3A_132 = tpu.memref_slice %arg8[%dma_wait3A_131] : memref<16384xi32, #tpu.memory_space<vmem>> -> memref<1024xi32, #tpu.memory_space<vmem>>
    %dma_wait3A_133 = arith.constant 0 : i32
    %dma_wait3A_134 = arith.constant 0 : i32
    %dma_wait3A_135 = tpu.memref_slice %arg4[%dma_wait3A_133, %dma_wait3A_134] : memref<1000000x32xf32, #tpu.memory_space<hbm>> -> memref<1000000x32xf32, #tpu.memory_space<hbm>>
    tpu.wait_indirect_dma semaphore(%arg11 : memref<!tpu.dma_semaphore, #tpu.memory_space<semaphore_mem>>) src(%dma_wait3A_135 : memref<1000000x32xf32, #tpu.memory_space<hbm>>) dst(%arg9 : memref<1024x32xf32, #tpu.memory_space<vmem>>)
    %add3A_136 = arith.constant 10240 : i32
    %add3A_137 = arith.addi %mul3A_2, %add3A_136 : i32
    "tpu.region"() ({
      %run_scoped3A = tpu.sem_alloc : memref<!tpu.dma_semaphore, #tpu.memory_space<semaphore_mem>>
      %dma_start3A_231 = arith.constant 0 : i32
      %dma_start3A_232 = tpu.memref_slice %arg6[%add3A_137, %dma_start3A_231] : memref<524288x32xf32, #tpu.memory_space<hbm>> -> memref<1024x32xf32, #tpu.memory_space<hbm>>
      %dma_start3A_233 = arith.constant 0 : i32
      %dma_start3A_234 = tpu.memref_slice %arg6[%add3A_137, %dma_start3A_233] : memref<524288x32xf32, #tpu.memory_space<hbm>> -> memref<1024x32xf32, #tpu.memory_space<hbm>>
      tpu.enqueue_dma source(%arg9 : memref<1024x32xf32, #tpu.memory_space<vmem>>) target(%dma_start3A_234 : memref<1024x32xf32, #tpu.memory_space<hbm>>) target_semaphore(%run_scoped3A : memref<!tpu.dma_semaphore, #tpu.memory_space<semaphore_mem>>)
      %dma_wait3A_235 = arith.constant 0 : i32
      %dma_wait3A_236 = tpu.memref_slice %arg6[%add3A_137, %dma_wait3A_235] : memref<524288x32xf32, #tpu.memory_space<hbm>> -> memref<1024x32xf32, #tpu.memory_space<hbm>>
      %dma_wait3A_237 = arith.constant 0 : i32
      %dma_wait3A_238 = tpu.memref_slice %arg6[%add3A_137, %dma_wait3A_237] : memref<524288x32xf32, #tpu.memory_space<hbm>> -> memref<1024x32xf32, #tpu.memory_space<hbm>>
      tpu.wait_dma2 semaphore(%run_scoped3A : memref<!tpu.dma_semaphore, #tpu.memory_space<semaphore_mem>>) src(%arg9 : memref<1024x32xf32, #tpu.memory_space<vmem>>) dst(%dma_wait3A_238 : memref<1024x32xf32, #tpu.memory_space<hbm>>)
      tpu.yield
    }) : () -> ()
    %dma_start3A_138 = arith.constant 12288 : i32
    %dma_start3A_139 = tpu.memref_slice %arg8[%dma_start3A_138] : memref<16384xi32, #tpu.memory_space<vmem>> -> memref<1024xi32, #tpu.memory_space<vmem>>
    %dma_start3A_140 = arith.constant 0 : i32
    %dma_start3A_141 = arith.constant 0 : i32
    %dma_start3A_142 = tpu.memref_slice %arg4[%dma_start3A_140, %dma_start3A_141] : memref<1000000x32xf32, #tpu.memory_space<hbm>> -> memref<1000000x32xf32, #tpu.memory_space<hbm>>
    tpu.enqueue_indirect_dma source(%dma_start3A_142 : memref<1000000x32xf32, #tpu.memory_space<hbm>>) target(%arg9 : memref<1024x32xf32, #tpu.memory_space<vmem>>) offsets(%dma_start3A_139 : memref<1024xi32, #tpu.memory_space<vmem>>) semaphore(%arg11 : memref<!tpu.dma_semaphore, #tpu.memory_space<semaphore_mem>>)
    %dma_wait3A_143 = arith.constant 11264 : i32
    %dma_wait3A_144 = tpu.memref_slice %arg8[%dma_wait3A_143] : memref<16384xi32, #tpu.memory_space<vmem>> -> memref<1024xi32, #tpu.memory_space<vmem>>
    %dma_wait3A_145 = arith.constant 0 : i32
    %dma_wait3A_146 = arith.constant 0 : i32
    %dma_wait3A_147 = tpu.memref_slice %arg4[%dma_wait3A_145, %dma_wait3A_146] : memref<1000000x32xf32, #tpu.memory_space<hbm>> -> memref<1000000x32xf32, #tpu.memory_space<hbm>>
    tpu.wait_indirect_dma semaphore(%arg12 : memref<!tpu.dma_semaphore, #tpu.memory_space<semaphore_mem>>) src(%dma_wait3A_147 : memref<1000000x32xf32, #tpu.memory_space<hbm>>) dst(%arg10 : memref<1024x32xf32, #tpu.memory_space<vmem>>)
    %add3A_148 = arith.constant 11264 : i32
    %add3A_149 = arith.addi %mul3A_2, %add3A_148 : i32
    "tpu.region"() ({
      %run_scoped3A = tpu.sem_alloc : memref<!tpu.dma_semaphore, #tpu.memory_space<semaphore_mem>>
      %dma_start3A_231 = arith.constant 0 : i32
      %dma_start3A_232 = tpu.memref_slice %arg6[%add3A_149, %dma_start3A_231] : memref<524288x32xf32, #tpu.memory_space<hbm>> -> memref<1024x32xf32, #tpu.memory_space<hbm>>
      %dma_start3A_233 = arith.constant 0 : i32
      %dma_start3A_234 = tpu.memref_slice %arg6[%add3A_149, %dma_start3A_233] : memref<524288x32xf32, #tpu.memory_space<hbm>> -> memref<1024x32xf32, #tpu.memory_space<hbm>>
      tpu.enqueue_dma source(%arg10 : memref<1024x32xf32, #tpu.memory_space<vmem>>) target(%dma_start3A_234 : memref<1024x32xf32, #tpu.memory_space<hbm>>) target_semaphore(%run_scoped3A : memref<!tpu.dma_semaphore, #tpu.memory_space<semaphore_mem>>)
      %dma_wait3A_235 = arith.constant 0 : i32
      %dma_wait3A_236 = tpu.memref_slice %arg6[%add3A_149, %dma_wait3A_235] : memref<524288x32xf32, #tpu.memory_space<hbm>> -> memref<1024x32xf32, #tpu.memory_space<hbm>>
      %dma_wait3A_237 = arith.constant 0 : i32
      %dma_wait3A_238 = tpu.memref_slice %arg6[%add3A_149, %dma_wait3A_237] : memref<524288x32xf32, #tpu.memory_space<hbm>> -> memref<1024x32xf32, #tpu.memory_space<hbm>>
      tpu.wait_dma2 semaphore(%run_scoped3A : memref<!tpu.dma_semaphore, #tpu.memory_space<semaphore_mem>>) src(%arg10 : memref<1024x32xf32, #tpu.memory_space<vmem>>) dst(%dma_wait3A_238 : memref<1024x32xf32, #tpu.memory_space<hbm>>)
      tpu.yield
    }) : () -> ()
    %dma_start3A_150 = arith.constant 13312 : i32
    %dma_start3A_151 = tpu.memref_slice %arg8[%dma_start3A_150] : memref<16384xi32, #tpu.memory_space<vmem>> -> memref<1024xi32, #tpu.memory_space<vmem>>
    %dma_start3A_152 = arith.constant 0 : i32
    %dma_start3A_153 = arith.constant 0 : i32
    %dma_start3A_154 = tpu.memref_slice %arg4[%dma_start3A_152, %dma_start3A_153] : memref<1000000x32xf32, #tpu.memory_space<hbm>> -> memref<1000000x32xf32, #tpu.memory_space<hbm>>
    tpu.enqueue_indirect_dma source(%dma_start3A_154 : memref<1000000x32xf32, #tpu.memory_space<hbm>>) target(%arg10 : memref<1024x32xf32, #tpu.memory_space<vmem>>) offsets(%dma_start3A_151 : memref<1024xi32, #tpu.memory_space<vmem>>) semaphore(%arg12 : memref<!tpu.dma_semaphore, #tpu.memory_space<semaphore_mem>>)
    %dma_wait3A_155 = arith.constant 12288 : i32
    %dma_wait3A_156 = tpu.memref_slice %arg8[%dma_wait3A_155] : memref<16384xi32, #tpu.memory_space<vmem>> -> memref<1024xi32, #tpu.memory_space<vmem>>
    %dma_wait3A_157 = arith.constant 0 : i32
    %dma_wait3A_158 = arith.constant 0 : i32
    %dma_wait3A_159 = tpu.memref_slice %arg4[%dma_wait3A_157, %dma_wait3A_158] : memref<1000000x32xf32, #tpu.memory_space<hbm>> -> memref<1000000x32xf32, #tpu.memory_space<hbm>>
    tpu.wait_indirect_dma semaphore(%arg11 : memref<!tpu.dma_semaphore, #tpu.memory_space<semaphore_mem>>) src(%dma_wait3A_159 : memref<1000000x32xf32, #tpu.memory_space<hbm>>) dst(%arg9 : memref<1024x32xf32, #tpu.memory_space<vmem>>)
    %add3A_160 = arith.constant 12288 : i32
    %add3A_161 = arith.addi %mul3A_2, %add3A_160 : i32
    "tpu.region"() ({
      %run_scoped3A = tpu.sem_alloc : memref<!tpu.dma_semaphore, #tpu.memory_space<semaphore_mem>>
      %dma_start3A_231 = arith.constant 0 : i32
      %dma_start3A_232 = tpu.memref_slice %arg6[%add3A_161, %dma_start3A_231] : memref<524288x32xf32, #tpu.memory_space<hbm>> -> memref<1024x32xf32, #tpu.memory_space<hbm>>
      %dma_start3A_233 = arith.constant 0 : i32
      %dma_start3A_234 = tpu.memref_slice %arg6[%add3A_161, %dma_start3A_233] : memref<524288x32xf32, #tpu.memory_space<hbm>> -> memref<1024x32xf32, #tpu.memory_space<hbm>>
      tpu.enqueue_dma source(%arg9 : memref<1024x32xf32, #tpu.memory_space<vmem>>) target(%dma_start3A_234 : memref<1024x32xf32, #tpu.memory_space<hbm>>) target_semaphore(%run_scoped3A : memref<!tpu.dma_semaphore, #tpu.memory_space<semaphore_mem>>)
      %dma_wait3A_235 = arith.constant 0 : i32
      %dma_wait3A_236 = tpu.memref_slice %arg6[%add3A_161, %dma_wait3A_235] : memref<524288x32xf32, #tpu.memory_space<hbm>> -> memref<1024x32xf32, #tpu.memory_space<hbm>>
      %dma_wait3A_237 = arith.constant 0 : i32
      %dma_wait3A_238 = tpu.memref_slice %arg6[%add3A_161, %dma_wait3A_237] : memref<524288x32xf32, #tpu.memory_space<hbm>> -> memref<1024x32xf32, #tpu.memory_space<hbm>>
      tpu.wait_dma2 semaphore(%run_scoped3A : memref<!tpu.dma_semaphore, #tpu.memory_space<semaphore_mem>>) src(%arg9 : memref<1024x32xf32, #tpu.memory_space<vmem>>) dst(%dma_wait3A_238 : memref<1024x32xf32, #tpu.memory_space<hbm>>)
      tpu.yield
    }) : () -> ()
    %dma_start3A_162 = arith.constant 14336 : i32
    %dma_start3A_163 = tpu.memref_slice %arg8[%dma_start3A_162] : memref<16384xi32, #tpu.memory_space<vmem>> -> memref<1024xi32, #tpu.memory_space<vmem>>
    %dma_start3A_164 = arith.constant 0 : i32
    %dma_start3A_165 = arith.constant 0 : i32
    %dma_start3A_166 = tpu.memref_slice %arg4[%dma_start3A_164, %dma_start3A_165] : memref<1000000x32xf32, #tpu.memory_space<hbm>> -> memref<1000000x32xf32, #tpu.memory_space<hbm>>
    tpu.enqueue_indirect_dma source(%dma_start3A_166 : memref<1000000x32xf32, #tpu.memory_space<hbm>>) target(%arg9 : memref<1024x32xf32, #tpu.memory_space<vmem>>) offsets(%dma_start3A_163 : memref<1024xi32, #tpu.memory_space<vmem>>) semaphore(%arg11 : memref<!tpu.dma_semaphore, #tpu.memory_space<semaphore_mem>>)
    %dma_wait3A_167 = arith.constant 13312 : i32
    %dma_wait3A_168 = tpu.memref_slice %arg8[%dma_wait3A_167] : memref<16384xi32, #tpu.memory_space<vmem>> -> memref<1024xi32, #tpu.memory_space<vmem>>
    %dma_wait3A_169 = arith.constant 0 : i32
    %dma_wait3A_170 = arith.constant 0 : i32
    %dma_wait3A_171 = tpu.memref_slice %arg4[%dma_wait3A_169, %dma_wait3A_170] : memref<1000000x32xf32, #tpu.memory_space<hbm>> -> memref<1000000x32xf32, #tpu.memory_space<hbm>>
    tpu.wait_indirect_dma semaphore(%arg12 : memref<!tpu.dma_semaphore, #tpu.memory_space<semaphore_mem>>) src(%dma_wait3A_171 : memref<1000000x32xf32, #tpu.memory_space<hbm>>) dst(%arg10 : memref<1024x32xf32, #tpu.memory_space<vmem>>)
    %add3A_172 = arith.constant 13312 : i32
    %add3A_173 = arith.addi %mul3A_2, %add3A_172 : i32
    "tpu.region"() ({
      %run_scoped3A = tpu.sem_alloc : memref<!tpu.dma_semaphore, #tpu.memory_space<semaphore_mem>>
      %dma_start3A_231 = arith.constant 0 : i32
      %dma_start3A_232 = tpu.memref_slice %arg6[%add3A_173, %dma_start3A_231] : memref<524288x32xf32, #tpu.memory_space<hbm>> -> memref<1024x32xf32, #tpu.memory_space<hbm>>
      %dma_start3A_233 = arith.constant 0 : i32
      %dma_start3A_234 = tpu.memref_slice %arg6[%add3A_173, %dma_start3A_233] : memref<524288x32xf32, #tpu.memory_space<hbm>> -> memref<1024x32xf32, #tpu.memory_space<hbm>>
      tpu.enqueue_dma source(%arg10 : memref<1024x32xf32, #tpu.memory_space<vmem>>) target(%dma_start3A_234 : memref<1024x32xf32, #tpu.memory_space<hbm>>) target_semaphore(%run_scoped3A : memref<!tpu.dma_semaphore, #tpu.memory_space<semaphore_mem>>)
      %dma_wait3A_235 = arith.constant 0 : i32
      %dma_wait3A_236 = tpu.memref_slice %arg6[%add3A_173, %dma_wait3A_235] : memref<524288x32xf32, #tpu.memory_space<hbm>> -> memref<1024x32xf32, #tpu.memory_space<hbm>>
      %dma_wait3A_237 = arith.constant 0 : i32
      %dma_wait3A_238 = tpu.memref_slice %arg6[%add3A_173, %dma_wait3A_237] : memref<524288x32xf32, #tpu.memory_space<hbm>> -> memref<1024x32xf32, #tpu.memory_space<hbm>>
      tpu.wait_dma2 semaphore(%run_scoped3A : memref<!tpu.dma_semaphore, #tpu.memory_space<semaphore_mem>>) src(%arg10 : memref<1024x32xf32, #tpu.memory_space<vmem>>) dst(%dma_wait3A_238 : memref<1024x32xf32, #tpu.memory_space<hbm>>)
      tpu.yield
    }) : () -> ()
    %dma_start3A_174 = arith.constant 15360 : i32
    %dma_start3A_175 = tpu.memref_slice %arg8[%dma_start3A_174] : memref<16384xi32, #tpu.memory_space<vmem>> -> memref<1024xi32, #tpu.memory_space<vmem>>
    %dma_start3A_176 = arith.constant 0 : i32
    %dma_start3A_177 = arith.constant 0 : i32
    %dma_start3A_178 = tpu.memref_slice %arg4[%dma_start3A_176, %dma_start3A_177] : memref<1000000x32xf32, #tpu.memory_space<hbm>> -> memref<1000000x32xf32, #tpu.memory_space<hbm>>
    tpu.enqueue_indirect_dma source(%dma_start3A_178 : memref<1000000x32xf32, #tpu.memory_space<hbm>>) target(%arg10 : memref<1024x32xf32, #tpu.memory_space<vmem>>) offsets(%dma_start3A_175 : memref<1024xi32, #tpu.memory_space<vmem>>) semaphore(%arg12 : memref<!tpu.dma_semaphore, #tpu.memory_space<semaphore_mem>>)
    %dma_wait3A_179 = arith.constant 14336 : i32
    %dma_wait3A_180 = tpu.memref_slice %arg8[%dma_wait3A_179] : memref<16384xi32, #tpu.memory_space<vmem>> -> memref<1024xi32, #tpu.memory_space<vmem>>
    %dma_wait3A_181 = arith.constant 0 : i32
    %dma_wait3A_182 = arith.constant 0 : i32
    %dma_wait3A_183 = tpu.memref_slice %arg4[%dma_wait3A_181, %dma_wait3A_182] : memref<1000000x32xf32, #tpu.memory_space<hbm>> -> memref<1000000x32xf32, #tpu.memory_space<hbm>>
    tpu.wait_indirect_dma semaphore(%arg11 : memref<!tpu.dma_semaphore, #tpu.memory_space<semaphore_mem>>) src(%dma_wait3A_183 : memref<1000000x32xf32, #tpu.memory_space<hbm>>) dst(%arg9 : memref<1024x32xf32, #tpu.memory_space<vmem>>)
    %add3A_184 = arith.constant 14336 : i32
    %add3A_185 = arith.addi %mul3A_2, %add3A_184 : i32
    "tpu.region"() ({
      %run_scoped3A = tpu.sem_alloc : memref<!tpu.dma_semaphore, #tpu.memory_space<semaphore_mem>>
      %dma_start3A_231 = arith.constant 0 : i32
      %dma_start3A_232 = tpu.memref_slice %arg6[%add3A_185, %dma_start3A_231] : memref<524288x32xf32, #tpu.memory_space<hbm>> -> memref<1024x32xf32, #tpu.memory_space<hbm>>
      %dma_start3A_233 = arith.constant 0 : i32
      %dma_start3A_234 = tpu.memref_slice %arg6[%add3A_185, %dma_start3A_233] : memref<524288x32xf32, #tpu.memory_space<hbm>> -> memref<1024x32xf32, #tpu.memory_space<hbm>>
      tpu.enqueue_dma source(%arg9 : memref<1024x32xf32, #tpu.memory_space<vmem>>) target(%dma_start3A_234 : memref<1024x32xf32, #tpu.memory_space<hbm>>) target_semaphore(%run_scoped3A : memref<!tpu.dma_semaphore, #tpu.memory_space<semaphore_mem>>)
      %dma_wait3A_235 = arith.constant 0 : i32
      %dma_wait3A_236 = tpu.memref_slice %arg6[%add3A_185, %dma_wait3A_235] : memref<524288x32xf32, #tpu.memory_space<hbm>> -> memref<1024x32xf32, #tpu.memory_space<hbm>>
      %dma_wait3A_237 = arith.constant 0 : i32
      %dma_wait3A_238 = tpu.memref_slice %arg6[%add3A_185, %dma_wait3A_237] : memref<524288x32xf32, #tpu.memory_space<hbm>> -> memref<1024x32xf32, #tpu.memory_space<hbm>>
      tpu.wait_dma2 semaphore(%run_scoped3A : memref<!tpu.dma_semaphore, #tpu.memory_space<semaphore_mem>>) src(%arg9 : memref<1024x32xf32, #tpu.memory_space<vmem>>) dst(%dma_wait3A_238 : memref<1024x32xf32, #tpu.memory_space<hbm>>)
      tpu.yield
    }) : () -> ()
    %dma_wait3A_186 = arith.constant 15360 : i32
    %dma_wait3A_187 = tpu.memref_slice %arg8[%dma_wait3A_186] : memref<16384xi32, #tpu.memory_space<vmem>> -> memref<1024xi32, #tpu.memory_space<vmem>>
    %dma_wait3A_188 = arith.constant 0 : i32
    %dma_wait3A_189 = arith.constant 0 : i32
    %dma_wait3A_190 = tpu.memref_slice %arg4[%dma_wait3A_188, %dma_wait3A_189] : memref<1000000x32xf32, #tpu.memory_space<hbm>> -> memref<1000000x32xf32, #tpu.memory_space<hbm>>
    tpu.wait_indirect_dma semaphore(%arg12 : memref<!tpu.dma_semaphore, #tpu.memory_space<semaphore_mem>>) src(%dma_wait3A_190 : memref<1000000x32xf32, #tpu.memory_space<hbm>>) dst(%arg10 : memref<1024x32xf32, #tpu.memory_space<vmem>>)
    %add3A_191 = arith.constant 15360 : i32
    %add3A_192 = arith.addi %mul3A_2, %add3A_191 : i32
    "tpu.region"() ({
      %run_scoped3A = tpu.sem_alloc : memref<!tpu.dma_semaphore, #tpu.memory_space<semaphore_mem>>
      %dma_start3A_231 = arith.constant 0 : i32
      %dma_start3A_232 = tpu.memref_slice %arg6[%add3A_192, %dma_start3A_231] : memref<524288x32xf32, #tpu.memory_space<hbm>> -> memref<1024x32xf32, #tpu.memory_space<hbm>>
      %dma_start3A_233 = arith.constant 0 : i32
      %dma_start3A_234 = tpu.memref_slice %arg6[%add3A_192, %dma_start3A_233] : memref<524288x32xf32, #tpu.memory_space<hbm>> -> memref<1024x32xf32, #tpu.memory_space<hbm>>
      tpu.enqueue_dma source(%arg10 : memref<1024x32xf32, #tpu.memory_space<vmem>>) target(%dma_start3A_234 : memref<1024x32xf32, #tpu.memory_space<hbm>>) target_semaphore(%run_scoped3A : memref<!tpu.dma_semaphore, #tpu.memory_space<semaphore_mem>>)
      %dma_wait3A_235 = arith.constant 0 : i32
      %dma_wait3A_236 = tpu.memref_slice %arg6[%add3A_192, %dma_wait3A_235] : memref<524288x32xf32, #tpu.memory_space<hbm>> -> memref<1024x32xf32, #tpu.memory_space<hbm>>
      %dma_wait3A_237 = arith.constant 0 : i32
      %dma_wait3A_238 = tpu.memref_slice %arg6[%add3A_192, %dma_wait3A_237] : memref<524288x32xf32, #tpu.memory_space<hbm>> -> memref<1024x32xf32, #tpu.memory_space<hbm>>
      tpu.wait_dma2 semaphore(%run_scoped3A : memref<!tpu.dma_semaphore, #tpu.memory_space<semaphore_mem>>) src(%arg10 : memref<1024x32xf32, #tpu.memory_space<vmem>>) dst(%dma_wait3A_238 : memref<1024x32xf32, #tpu.memory_space<hbm>>)
      tpu.yield
    }) : () -> ()
    %mul3A_193 = arith.constant 3072 : i32
    %mul3A_194 = arith.muli %add3A, %mul3A_193 : i32
    "tpu.region"() ({
      %run_scoped3A = tpu.sem_alloc : memref<!tpu.dma_semaphore, #tpu.memory_space<semaphore_mem>>
      %dma_start3A_231 = arith.constant 0 : i32
      %dma_start3A_232 = tpu.memref_slice %arg8[%dma_start3A_231] : memref<16384xi32, #tpu.memory_space<vmem>> -> memref<3072xi32, #tpu.memory_space<vmem>>
      %dma_start3A_233 = tpu.memref_slice %arg3[%mul3A_194] : memref<98304xi32, #tpu.memory_space<hbm>> -> memref<3072xi32, #tpu.memory_space<hbm>>
      %dma_start3A_234 = arith.constant 0 : i32
      %dma_start3A_235 = tpu.memref_slice %arg8[%dma_start3A_234] : memref<16384xi32, #tpu.memory_space<vmem>> -> memref<3072xi32, #tpu.memory_space<vmem>>
      %dma_start3A_236 = tpu.memref_slice %arg3[%mul3A_194] : memref<98304xi32, #tpu.memory_space<hbm>> -> memref<3072xi32, #tpu.memory_space<hbm>>
      tpu.enqueue_dma source(%dma_start3A_236 : memref<3072xi32, #tpu.memory_space<hbm>>) target(%dma_start3A_235 : memref<3072xi32, #tpu.memory_space<vmem>>) target_semaphore(%run_scoped3A : memref<!tpu.dma_semaphore, #tpu.memory_space<semaphore_mem>>)
      %dma_wait3A_237 = arith.constant 0 : i32
      %dma_wait3A_238 = tpu.memref_slice %arg8[%dma_wait3A_237] : memref<16384xi32, #tpu.memory_space<vmem>> -> memref<3072xi32, #tpu.memory_space<vmem>>
      %dma_wait3A_239 = tpu.memref_slice %arg3[%mul3A_194] : memref<98304xi32, #tpu.memory_space<hbm>> -> memref<3072xi32, #tpu.memory_space<hbm>>
      %dma_wait3A_240 = arith.constant 0 : i32
      %dma_wait3A_241 = tpu.memref_slice %arg8[%dma_wait3A_240] : memref<16384xi32, #tpu.memory_space<vmem>> -> memref<3072xi32, #tpu.memory_space<vmem>>
      %dma_wait3A_242 = tpu.memref_slice %arg3[%mul3A_194] : memref<98304xi32, #tpu.memory_space<hbm>> -> memref<3072xi32, #tpu.memory_space<hbm>>
      tpu.wait_dma2 semaphore(%run_scoped3A : memref<!tpu.dma_semaphore, #tpu.memory_space<semaphore_mem>>) src(%dma_wait3A_242 : memref<3072xi32, #tpu.memory_space<hbm>>) dst(%dma_wait3A_241 : memref<3072xi32, #tpu.memory_space<vmem>>)
      tpu.yield
    }) : () -> ()
    %dma_start3A_195 = arith.constant 0 : i32
    %dma_start3A_196 = tpu.memref_slice %arg8[%dma_start3A_195] : memref<16384xi32, #tpu.memory_space<vmem>> -> memref<1024xi32, #tpu.memory_space<vmem>>
    %dma_start3A_197 = arith.constant 0 : i32
    %dma_start3A_198 = arith.constant 0 : i32
    %dma_start3A_199 = tpu.memref_slice %arg5[%dma_start3A_197, %dma_start3A_198] : memref<100000x32xf32, #tpu.memory_space<hbm>> -> memref<100000x32xf32, #tpu.memory_space<hbm>>
    tpu.enqueue_indirect_dma source(%dma_start3A_199 : memref<100000x32xf32, #tpu.memory_space<hbm>>) target(%arg9 : memref<1024x32xf32, #tpu.memory_space<vmem>>) offsets(%dma_start3A_196 : memref<1024xi32, #tpu.memory_space<vmem>>) semaphore(%arg11 : memref<!tpu.dma_semaphore, #tpu.memory_space<semaphore_mem>>)
    %dma_start3A_200 = arith.constant 1024 : i32
    %dma_start3A_201 = tpu.memref_slice %arg8[%dma_start3A_200] : memref<16384xi32, #tpu.memory_space<vmem>> -> memref<1024xi32, #tpu.memory_space<vmem>>
    %dma_start3A_202 = arith.constant 0 : i32
    %dma_start3A_203 = arith.constant 0 : i32
    %dma_start3A_204 = tpu.memref_slice %arg5[%dma_start3A_202, %dma_start3A_203] : memref<100000x32xf32, #tpu.memory_space<hbm>> -> memref<100000x32xf32, #tpu.memory_space<hbm>>
    tpu.enqueue_indirect_dma source(%dma_start3A_204 : memref<100000x32xf32, #tpu.memory_space<hbm>>) target(%arg10 : memref<1024x32xf32, #tpu.memory_space<vmem>>) offsets(%dma_start3A_201 : memref<1024xi32, #tpu.memory_space<vmem>>) semaphore(%arg12 : memref<!tpu.dma_semaphore, #tpu.memory_space<semaphore_mem>>)
    %dma_wait3A_205 = arith.constant 0 : i32
    %dma_wait3A_206 = tpu.memref_slice %arg8[%dma_wait3A_205] : memref<16384xi32, #tpu.memory_space<vmem>> -> memref<1024xi32, #tpu.memory_space<vmem>>
    %dma_wait3A_207 = arith.constant 0 : i32
    %dma_wait3A_208 = arith.constant 0 : i32
    %dma_wait3A_209 = tpu.memref_slice %arg5[%dma_wait3A_207, %dma_wait3A_208] : memref<100000x32xf32, #tpu.memory_space<hbm>> -> memref<100000x32xf32, #tpu.memory_space<hbm>>
    tpu.wait_indirect_dma semaphore(%arg11 : memref<!tpu.dma_semaphore, #tpu.memory_space<semaphore_mem>>) src(%dma_wait3A_209 : memref<100000x32xf32, #tpu.memory_space<hbm>>) dst(%arg9 : memref<1024x32xf32, #tpu.memory_space<vmem>>)
    %add3A_210 = arith.constant 0 : i32
    %add3A_211 = arith.addi %mul3A_194, %add3A_210 : i32
    "tpu.region"() ({
      %run_scoped3A = tpu.sem_alloc : memref<!tpu.dma_semaphore, #tpu.memory_space<semaphore_mem>>
      %dma_start3A_231 = arith.constant 0 : i32
      %dma_start3A_232 = tpu.memref_slice %arg7[%add3A_211, %dma_start3A_231] : memref<98304x32xf32, #tpu.memory_space<hbm>> -> memref<1024x32xf32, #tpu.memory_space<hbm>>
      %dma_start3A_233 = arith.constant 0 : i32
      %dma_start3A_234 = tpu.memref_slice %arg7[%add3A_211, %dma_start3A_233] : memref<98304x32xf32, #tpu.memory_space<hbm>> -> memref<1024x32xf32, #tpu.memory_space<hbm>>
      tpu.enqueue_dma source(%arg9 : memref<1024x32xf32, #tpu.memory_space<vmem>>) target(%dma_start3A_234 : memref<1024x32xf32, #tpu.memory_space<hbm>>) target_semaphore(%run_scoped3A : memref<!tpu.dma_semaphore, #tpu.memory_space<semaphore_mem>>)
      %dma_wait3A_235 = arith.constant 0 : i32
      %dma_wait3A_236 = tpu.memref_slice %arg7[%add3A_211, %dma_wait3A_235] : memref<98304x32xf32, #tpu.memory_space<hbm>> -> memref<1024x32xf32, #tpu.memory_space<hbm>>
      %dma_wait3A_237 = arith.constant 0 : i32
      %dma_wait3A_238 = tpu.memref_slice %arg7[%add3A_211, %dma_wait3A_237] : memref<98304x32xf32, #tpu.memory_space<hbm>> -> memref<1024x32xf32, #tpu.memory_space<hbm>>
      tpu.wait_dma2 semaphore(%run_scoped3A : memref<!tpu.dma_semaphore, #tpu.memory_space<semaphore_mem>>) src(%arg9 : memref<1024x32xf32, #tpu.memory_space<vmem>>) dst(%dma_wait3A_238 : memref<1024x32xf32, #tpu.memory_space<hbm>>)
      tpu.yield
    }) : () -> ()
    %dma_start3A_212 = arith.constant 2048 : i32
    %dma_start3A_213 = tpu.memref_slice %arg8[%dma_start3A_212] : memref<16384xi32, #tpu.memory_space<vmem>> -> memref<1024xi32, #tpu.memory_space<vmem>>
    %dma_start3A_214 = arith.constant 0 : i32
    %dma_start3A_215 = arith.constant 0 : i32
    %dma_start3A_216 = tpu.memref_slice %arg5[%dma_start3A_214, %dma_start3A_215] : memref<100000x32xf32, #tpu.memory_space<hbm>> -> memref<100000x32xf32, #tpu.memory_space<hbm>>
    tpu.enqueue_indirect_dma source(%dma_start3A_216 : memref<100000x32xf32, #tpu.memory_space<hbm>>) target(%arg9 : memref<1024x32xf32, #tpu.memory_space<vmem>>) offsets(%dma_start3A_213 : memref<1024xi32, #tpu.memory_space<vmem>>) semaphore(%arg11 : memref<!tpu.dma_semaphore, #tpu.memory_space<semaphore_mem>>)
    %dma_wait3A_217 = arith.constant 1024 : i32
    %dma_wait3A_218 = tpu.memref_slice %arg8[%dma_wait3A_217] : memref<16384xi32, #tpu.memory_space<vmem>> -> memref<1024xi32, #tpu.memory_space<vmem>>
    %dma_wait3A_219 = arith.constant 0 : i32
    %dma_wait3A_220 = arith.constant 0 : i32
    %dma_wait3A_221 = tpu.memref_slice %arg5[%dma_wait3A_219, %dma_wait3A_220] : memref<100000x32xf32, #tpu.memory_space<hbm>> -> memref<100000x32xf32, #tpu.memory_space<hbm>>
    tpu.wait_indirect_dma semaphore(%arg12 : memref<!tpu.dma_semaphore, #tpu.memory_space<semaphore_mem>>) src(%dma_wait3A_221 : memref<100000x32xf32, #tpu.memory_space<hbm>>) dst(%arg10 : memref<1024x32xf32, #tpu.memory_space<vmem>>)
    %add3A_222 = arith.constant 1024 : i32
    %add3A_223 = arith.addi %mul3A_194, %add3A_222 : i32
    "tpu.region"() ({
      %run_scoped3A = tpu.sem_alloc : memref<!tpu.dma_semaphore, #tpu.memory_space<semaphore_mem>>
      %dma_start3A_231 = arith.constant 0 : i32
      %dma_start3A_232 = tpu.memref_slice %arg7[%add3A_223, %dma_start3A_231] : memref<98304x32xf32, #tpu.memory_space<hbm>> -> memref<1024x32xf32, #tpu.memory_space<hbm>>
      %dma_start3A_233 = arith.constant 0 : i32
      %dma_start3A_234 = tpu.memref_slice %arg7[%add3A_223, %dma_start3A_233] : memref<98304x32xf32, #tpu.memory_space<hbm>> -> memref<1024x32xf32, #tpu.memory_space<hbm>>
      tpu.enqueue_dma source(%arg10 : memref<1024x32xf32, #tpu.memory_space<vmem>>) target(%dma_start3A_234 : memref<1024x32xf32, #tpu.memory_space<hbm>>) target_semaphore(%run_scoped3A : memref<!tpu.dma_semaphore, #tpu.memory_space<semaphore_mem>>)
      %dma_wait3A_235 = arith.constant 0 : i32
      %dma_wait3A_236 = tpu.memref_slice %arg7[%add3A_223, %dma_wait3A_235] : memref<98304x32xf32, #tpu.memory_space<hbm>> -> memref<1024x32xf32, #tpu.memory_space<hbm>>
      %dma_wait3A_237 = arith.constant 0 : i32
      %dma_wait3A_238 = tpu.memref_slice %arg7[%add3A_223, %dma_wait3A_237] : memref<98304x32xf32, #tpu.memory_space<hbm>> -> memref<1024x32xf32, #tpu.memory_space<hbm>>
      tpu.wait_dma2 semaphore(%run_scoped3A : memref<!tpu.dma_semaphore, #tpu.memory_space<semaphore_mem>>) src(%arg10 : memref<1024x32xf32, #tpu.memory_space<vmem>>) dst(%dma_wait3A_238 : memref<1024x32xf32, #tpu.memory_space<hbm>>)
      tpu.yield
    }) : () -> ()
    %dma_wait3A_224 = arith.constant 2048 : i32
    %dma_wait3A_225 = tpu.memref_slice %arg8[%dma_wait3A_224] : memref<16384xi32, #tpu.memory_space<vmem>> -> memref<1024xi32, #tpu.memory_space<vmem>>
    %dma_wait3A_226 = arith.constant 0 : i32
    %dma_wait3A_227 = arith.constant 0 : i32
    %dma_wait3A_228 = tpu.memref_slice %arg5[%dma_wait3A_226, %dma_wait3A_227] : memref<100000x32xf32, #tpu.memory_space<hbm>> -> memref<100000x32xf32, #tpu.memory_space<hbm>>
    tpu.wait_indirect_dma semaphore(%arg11 : memref<!tpu.dma_semaphore, #tpu.memory_space<semaphore_mem>>) src(%dma_wait3A_228 : memref<100000x32xf32, #tpu.memory_space<hbm>>) dst(%arg9 : memref<1024x32xf32, #tpu.memory_space<vmem>>)
    %add3A_229 = arith.constant 2048 : i32
    %add3A_230 = arith.addi %mul3A_194, %add3A_229 : i32
    "tpu.region"() ({
      %run_scoped3A = tpu.sem_alloc : memref<!tpu.dma_semaphore, #tpu.memory_space<semaphore_mem>>
      %dma_start3A_231 = arith.constant 0 : i32
      %dma_start3A_232 = tpu.memref_slice %arg7[%add3A_230, %dma_start3A_231] : memref<98304x32xf32, #tpu.memory_space<hbm>> -> memref<1024x32xf32, #tpu.memory_space<hbm>>
      %dma_start3A_233 = arith.constant 0 : i32
      %dma_start3A_234 = tpu.memref_slice %arg7[%add3A_230, %dma_start3A_233] : memref<98304x32xf32, #tpu.memory_space<hbm>> -> memref<1024x32xf32, #tpu.memory_space<hbm>>
      tpu.enqueue_dma source(%arg9 : memref<1024x32xf32, #tpu.memory_space<vmem>>) target(%dma_start3A_234 : memref<1024x32xf32, #tpu.memory_space<hbm>>) target_semaphore(%run_scoped3A : memref<!tpu.dma_semaphore, #tpu.memory_space<semaphore_mem>>)
      %dma_wait3A_235 = arith.constant 0 : i32
      %dma_wait3A_236 = tpu.memref_slice %arg7[%add3A_230, %dma_wait3A_235] : memref<98304x32xf32, #tpu.memory_space<hbm>> -> memref<1024x32xf32, #tpu.memory_space<hbm>>
      %dma_wait3A_237 = arith.constant 0 : i32
      %dma_wait3A_238 = tpu.memref_slice %arg7[%add3A_230, %dma_wait3A_237] : memref<98304x32xf32, #tpu.memory_space<hbm>> -> memref<1024x32xf32, #tpu.memory_space<hbm>>
      tpu.wait_dma2 semaphore(%run_scoped3A : memref<!tpu.dma_semaphore, #tpu.memory_space<semaphore_mem>>) src(%arg9 : memref<1024x32xf32, #tpu.memory_space<vmem>>) dst(%dma_wait3A_238 : memref<1024x32xf32, #tpu.memory_space<hbm>>)
      tpu.yield
    }) : () -> ()
    return
  }
}

module attributes {stable_mosaic.version = 14 : i64} {
  func.func @body(%arg0: i32, %arg1: memref<8192x128xf32, #tpu.memory_space<vmem>>, %arg2: memref<1536x128xf32, #tpu.memory_space<vmem>>, %arg3: memref<2x128x144xf32, #tpu.memory_space<vmem>>, %arg4: memref<2x128x144xf32, #tpu.memory_space<vmem>>, %arg5: memref<2x128x144xf32, #tpu.memory_space<vmem>>, %arg6: memref<2x1x144xf32, #tpu.memory_space<vmem>>, %arg7: memref<2x144x4xf32, #tpu.memory_space<vmem>>, %arg8: memref<4x128xf32, #tpu.memory_space<vmem>>, %arg9: memref<128x32xf32, #tpu.memory_space<vmem>>, %arg10: memref<2x32x256xf32, #tpu.memory_space<vmem>>, %arg11: memref<128x256xf32, #tpu.memory_space<vmem>>, %arg12: memref<128x256xf32, #tpu.memory_space<vmem>>, %arg13: memref<768x256xf32, #tpu.memory_space<vmem>>, %arg14: memref<1x256xf32, #tpu.memory_space<vmem>>, %arg15: memref<1x256xf32, #tpu.memory_space<vmem>>, %arg16: memref<256x128xf32, #tpu.memory_space<vmem>>, %arg17: memref<1x128xf32, #tpu.memory_space<vmem>>, %arg18: memref<1x128xf32, #tpu.memory_space<vmem>>, %arg19: memref<128x1xf32, #tpu.memory_space<vmem>>, %arg20: memref<1x1xf32, #tpu.memory_space<vmem>>, %arg21: memref<4096x1xf32, #tpu.memory_space<vmem>>, %arg22: memref<4096x256xf32, #tpu.memory_space<vmem>>) attributes {dimension_semantics = [#tpu.dimension_semantics<arbitrary>], iteration_bounds = array<i64: 16>, scalar_prefetch = 0 : i64, scratch_operands = 1 : i64, tpu.core_type = #tpu.core_type<tc>, window_params = [{transform_indices = @transform_0, window_bounds = array<i64: 8192, 128>}, {transform_indices = @transform_1, window_bounds = array<i64: 1536, 128>}, {pipeline_mode = #tpu.pipeline_mode<synchronous>, transform_indices = @transform_2, window_bounds = array<i64: 2, 128, 144>}, {pipeline_mode = #tpu.pipeline_mode<synchronous>, transform_indices = @transform_3, window_bounds = array<i64: 2, 128, 144>}, {pipeline_mode = #tpu.pipeline_mode<synchronous>, transform_indices = @transform_4, window_bounds = array<i64: 2, 128, 144>}, {pipeline_mode = #tpu.pipeline_mode<synchronous>, transform_indices = @transform_5, window_bounds = array<i64: 2, 1, 144>}, {pipeline_mode = #tpu.pipeline_mode<synchronous>, transform_indices = @transform_6, window_bounds = array<i64: 2, 144, 4>}, {pipeline_mode = #tpu.pipeline_mode<synchronous>, transform_indices = @transform_7, window_bounds = array<i64: 4, 128>}, {pipeline_mode = #tpu.pipeline_mode<synchronous>, transform_indices = @transform_8, window_bounds = array<i64: 128, 32>}, {pipeline_mode = #tpu.pipeline_mode<synchronous>, transform_indices = @transform_9, window_bounds = array<i64: 2, 32, 256>}, {pipeline_mode = #tpu.pipeline_mode<synchronous>, transform_indices = @transform_10, window_bounds = array<i64: 128, 256>}, {pipeline_mode = #tpu.pipeline_mode<synchronous>, transform_indices = @transform_11, window_bounds = array<i64: 128, 256>}, {pipeline_mode = #tpu.pipeline_mode<synchronous>, transform_indices = @transform_12, window_bounds = array<i64: 768, 256>}, {pipeline_mode = #tpu.pipeline_mode<synchronous>, transform_indices = @transform_13, window_bounds = array<i64: 1, 256>}, {pipeline_mode = #tpu.pipeline_mode<synchronous>, transform_indices = @transform_14, window_bounds = array<i64: 1, 256>}, {pipeline_mode = #tpu.pipeline_mode<synchronous>, transform_indices = @transform_15, window_bounds = array<i64: 256, 128>}, {pipeline_mode = #tpu.pipeline_mode<synchronous>, transform_indices = @transform_16, window_bounds = array<i64: 1, 128>}, {pipeline_mode = #tpu.pipeline_mode<synchronous>, transform_indices = @transform_17, window_bounds = array<i64: 1, 128>}, {pipeline_mode = #tpu.pipeline_mode<synchronous>, transform_indices = @transform_18, window_bounds = array<i64: 128, 1>}, {pipeline_mode = #tpu.pipeline_mode<synchronous>, transform_indices = @transform_19, window_bounds = array<i64: 1, 1>}, {pipeline_mode = #tpu.pipeline_mode<synchronous>, transform_indices = @transform_20, window_bounds = array<i64: 4096, 1>}]} {
    %broadcast_in_dim3A = arith.constant 0.000000e+00 : f32
    %broadcast_in_dim3A_0 = vector.broadcast %broadcast_in_dim3A : f32 to vector<256x256xf32>
    %get3A = arith.constant 0 : index
    %get3A_1 = arith.constant 0 : index
    %get3A_2 = vector.load %arg2[%get3A, %get3A_1] : memref<1536x128xf32, #tpu.memory_space<vmem>>, vector<1536x128xf32>
    %reshape3A = vector.shape_cast %get3A_2 : vector<1536x128xf32> to vector<256x6x128xf32>
    %slice3A = vector.extract_strided_slice %reshape3A {offsets = [0, 0, 0], sizes = [256, 1, 128], strides = [1, 1, 1]} : vector<256x6x128xf32> to vector<256x1x128xf32>
    %squeeze3A = vector.shape_cast %slice3A : vector<256x1x128xf32> to vector<256x128xf32>
    %get3A_3 = arith.constant 0 : index
    %get3A_4 = arith.constant 0 : index
    %get3A_5 = vector.load %arg13[%get3A_3, %get3A_4] : memref<768x256xf32, #tpu.memory_space<vmem>>, vector<128x256xf32>
    %dot_general3A = arith.constant dense<0.000000e+00> : vector<256x256xf32>
    %dot_general3A_6 = tpu.matmul %squeeze3A, %get3A_5, %dot_general3A {dimension_numbers = #tpu.dot_dimension_numbers<[1], [0], [0], [1], [0, 0, 1, 1], [], []>, transpose_lhs_hint = false} : vector<256x128xf32>, vector<128x256xf32>, vector<256x256xf32> -> vector<256x256xf32>
    %add3A = arith.addf %broadcast_in_dim3A_0, %dot_general3A_6 : vector<256x256xf32>
    %slice3A_7 = vector.extract_strided_slice %reshape3A {offsets = [0, 1, 0], sizes = [256, 1, 128], strides = [1, 1, 1]} : vector<256x6x128xf32> to vector<256x1x128xf32>
    %squeeze3A_8 = vector.shape_cast %slice3A_7 : vector<256x1x128xf32> to vector<256x128xf32>
    %get3A_9 = arith.constant 128 : index
    %get3A_10 = arith.constant 0 : index
    %get3A_11 = vector.load %arg13[%get3A_9, %get3A_10] : memref<768x256xf32, #tpu.memory_space<vmem>>, vector<128x256xf32>
    %dot_general3A_12 = arith.constant dense<0.000000e+00> : vector<256x256xf32>
    %dot_general3A_13 = tpu.matmul %squeeze3A_8, %get3A_11, %dot_general3A_12 {dimension_numbers = #tpu.dot_dimension_numbers<[1], [0], [0], [1], [0, 0, 1, 1], [], []>, transpose_lhs_hint = false} : vector<256x128xf32>, vector<128x256xf32>, vector<256x256xf32> -> vector<256x256xf32>
    %add3A_14 = arith.addf %add3A, %dot_general3A_13 : vector<256x256xf32>
    %slice3A_15 = vector.extract_strided_slice %reshape3A {offsets = [0, 2, 0], sizes = [256, 1, 128], strides = [1, 1, 1]} : vector<256x6x128xf32> to vector<256x1x128xf32>
    %squeeze3A_16 = vector.shape_cast %slice3A_15 : vector<256x1x128xf32> to vector<256x128xf32>
    %get3A_17 = arith.constant 256 : index
    %get3A_18 = arith.constant 0 : index
    %get3A_19 = vector.load %arg13[%get3A_17, %get3A_18] : memref<768x256xf32, #tpu.memory_space<vmem>>, vector<128x256xf32>
    %dot_general3A_20 = arith.constant dense<0.000000e+00> : vector<256x256xf32>
    %dot_general3A_21 = tpu.matmul %squeeze3A_16, %get3A_19, %dot_general3A_20 {dimension_numbers = #tpu.dot_dimension_numbers<[1], [0], [0], [1], [0, 0, 1, 1], [], []>, transpose_lhs_hint = false} : vector<256x128xf32>, vector<128x256xf32>, vector<256x256xf32> -> vector<256x256xf32>
    %add3A_22 = arith.addf %add3A_14, %dot_general3A_21 : vector<256x256xf32>
    %slice3A_23 = vector.extract_strided_slice %reshape3A {offsets = [0, 3, 0], sizes = [256, 1, 128], strides = [1, 1, 1]} : vector<256x6x128xf32> to vector<256x1x128xf32>
    %squeeze3A_24 = vector.shape_cast %slice3A_23 : vector<256x1x128xf32> to vector<256x128xf32>
    %get3A_25 = arith.constant 384 : index
    %get3A_26 = arith.constant 0 : index
    %get3A_27 = vector.load %arg13[%get3A_25, %get3A_26] : memref<768x256xf32, #tpu.memory_space<vmem>>, vector<128x256xf32>
    %dot_general3A_28 = arith.constant dense<0.000000e+00> : vector<256x256xf32>
    %dot_general3A_29 = tpu.matmul %squeeze3A_24, %get3A_27, %dot_general3A_28 {dimension_numbers = #tpu.dot_dimension_numbers<[1], [0], [0], [1], [0, 0, 1, 1], [], []>, transpose_lhs_hint = false} : vector<256x128xf32>, vector<128x256xf32>, vector<256x256xf32> -> vector<256x256xf32>
    %add3A_30 = arith.addf %add3A_22, %dot_general3A_29 : vector<256x256xf32>
    %slice3A_31 = vector.extract_strided_slice %reshape3A {offsets = [0, 4, 0], sizes = [256, 1, 128], strides = [1, 1, 1]} : vector<256x6x128xf32> to vector<256x1x128xf32>
    %squeeze3A_32 = vector.shape_cast %slice3A_31 : vector<256x1x128xf32> to vector<256x128xf32>
    %get3A_33 = arith.constant 512 : index
    %get3A_34 = arith.constant 0 : index
    %get3A_35 = vector.load %arg13[%get3A_33, %get3A_34] : memref<768x256xf32, #tpu.memory_space<vmem>>, vector<128x256xf32>
    %dot_general3A_36 = arith.constant dense<0.000000e+00> : vector<256x256xf32>
    %dot_general3A_37 = tpu.matmul %squeeze3A_32, %get3A_35, %dot_general3A_36 {dimension_numbers = #tpu.dot_dimension_numbers<[1], [0], [0], [1], [0, 0, 1, 1], [], []>, transpose_lhs_hint = false} : vector<256x128xf32>, vector<128x256xf32>, vector<256x256xf32> -> vector<256x256xf32>
    %add3A_38 = arith.addf %add3A_30, %dot_general3A_37 : vector<256x256xf32>
    %slice3A_39 = vector.extract_strided_slice %reshape3A {offsets = [0, 5, 0], sizes = [256, 1, 128], strides = [1, 1, 1]} : vector<256x6x128xf32> to vector<256x1x128xf32>
    %squeeze3A_40 = vector.shape_cast %slice3A_39 : vector<256x1x128xf32> to vector<256x128xf32>
    %get3A_41 = arith.constant 640 : index
    %get3A_42 = arith.constant 0 : index
    %get3A_43 = vector.load %arg13[%get3A_41, %get3A_42] : memref<768x256xf32, #tpu.memory_space<vmem>>, vector<128x256xf32>
    %dot_general3A_44 = arith.constant dense<0.000000e+00> : vector<256x256xf32>
    %dot_general3A_45 = tpu.matmul %squeeze3A_40, %get3A_43, %dot_general3A_44 {dimension_numbers = #tpu.dot_dimension_numbers<[1], [0], [0], [1], [0, 0, 1, 1], [], []>, transpose_lhs_hint = false} : vector<256x128xf32>, vector<128x256xf32>, vector<256x256xf32> -> vector<256x256xf32>
    %add3A_46 = arith.addf %add3A_38, %dot_general3A_45 : vector<256x256xf32>
    %get3A_47 = arith.constant 0 : index
    %get3A_48 = arith.constant 0 : index
    %get3A_49 = vector.load %arg1[%get3A_47, %get3A_48] : memref<8192x128xf32, #tpu.memory_space<vmem>>, vector<8192x128xf32>
    %reshape3A_50 = vector.shape_cast %get3A_49 : vector<8192x128xf32> to vector<256x32x128xf32>
    %slice3A_51 = vector.extract_strided_slice %reshape3A_50 {offsets = [0, 0, 0], sizes = [256, 16, 128], strides = [1, 1, 1]} : vector<256x32x128xf32> to vector<256x16x128xf32>
    %reshape3A_52 = vector.shape_cast %slice3A_51 : vector<256x16x128xf32> to vector<4096x128xf32>
    %slice3A_53 = vector.extract_strided_slice %slice3A_51 {offsets = [0, 14, 0], sizes = [256, 1, 128], strides = [1, 1, 1]} : vector<256x16x128xf32> to vector<256x1x128xf32>
    %squeeze3A_54 = vector.shape_cast %slice3A_53 : vector<256x1x128xf32> to vector<256x128xf32>
    %broadcast_in_dim3A_55 = vector.shape_cast %squeeze3A_54 : vector<256x128xf32> to vector<256x1x128xf32>
    %mul3A = vector.broadcast %broadcast_in_dim3A_55 : vector<256x1x128xf32> to vector<256x16x128xf32>
    %mul3A_56 = arith.mulf %slice3A_51, %mul3A : vector<256x16x128xf32>
    %reshape3A_57 = vector.shape_cast %mul3A_56 : vector<256x16x128xf32> to vector<4096x128xf32>
    %get3A_58 = arith.constant 0 : index
    %get3A_59 = arith.constant 0 : index
    %get3A_60 = arith.constant 0 : index
    %get3A_61 = vector.load %arg3[%get3A_58, %get3A_59, %get3A_60] : memref<2x128x144xf32, #tpu.memory_space<vmem>>, vector<1x128x144xf32>
    %get3A_62 = vector.shape_cast %get3A_61 : vector<1x128x144xf32> to vector<128x144xf32>
    %dot_general3A_63 = arith.constant dense<0.000000e+00> : vector<4096x144xf32>
    %dot_general3A_64 = tpu.matmul %reshape3A_52, %get3A_62, %dot_general3A_63 {dimension_numbers = #tpu.dot_dimension_numbers<[1], [0], [0], [1], [0, 0, 1, 1], [], []>, transpose_lhs_hint = false} : vector<4096x128xf32>, vector<128x144xf32>, vector<4096x144xf32> -> vector<4096x144xf32>
    %get3A_65 = arith.constant 0 : index
    %get3A_66 = arith.constant 0 : index
    %get3A_67 = arith.constant 0 : index
    %get3A_68 = vector.load %arg4[%get3A_65, %get3A_66, %get3A_67] : memref<2x128x144xf32, #tpu.memory_space<vmem>>, vector<1x128x144xf32>
    %get3A_69 = vector.shape_cast %get3A_68 : vector<1x128x144xf32> to vector<128x144xf32>
    %dot_general3A_70 = arith.constant dense<0.000000e+00> : vector<4096x144xf32>
    %dot_general3A_71 = tpu.matmul %reshape3A_57, %get3A_69, %dot_general3A_70 {dimension_numbers = #tpu.dot_dimension_numbers<[1], [0], [0], [1], [0, 0, 1, 1], [], []>, transpose_lhs_hint = false} : vector<4096x128xf32>, vector<128x144xf32>, vector<4096x144xf32> -> vector<4096x144xf32>
    %add3A_72 = arith.addf %dot_general3A_64, %dot_general3A_71 : vector<4096x144xf32>
    %get3A_73 = arith.constant 0 : index
    %get3A_74 = arith.constant 0 : index
    %get3A_75 = arith.constant 0 : index
    %get3A_76 = vector.load %arg5[%get3A_73, %get3A_74, %get3A_75] : memref<2x128x144xf32, #tpu.memory_space<vmem>>, vector<1x128x144xf32>
    %get3A_77 = vector.shape_cast %get3A_76 : vector<1x128x144xf32> to vector<128x144xf32>
    %dot_general3A_78 = arith.constant dense<0.000000e+00> : vector<256x144xf32>
    %dot_general3A_79 = tpu.matmul %squeeze3A_54, %get3A_77, %dot_general3A_78 {dimension_numbers = #tpu.dot_dimension_numbers<[1], [0], [0], [1], [0, 0, 1, 1], [], []>, transpose_lhs_hint = false} : vector<256x128xf32>, vector<128x144xf32>, vector<256x144xf32> -> vector<256x144xf32>
    %get3A_80 = arith.constant 0 : index
    %get3A_81 = arith.constant 0 : index
    %get3A_82 = arith.constant 0 : index
    %get3A_83 = vector.load %arg6[%get3A_80, %get3A_81, %get3A_82] : memref<2x1x144xf32, #tpu.memory_space<vmem>>, vector<1x1x144xf32>
    %get3A_84 = vector.shape_cast %get3A_83 : vector<1x1x144xf32> to vector<1x144xf32>
    %add3A_85 = vector.broadcast %get3A_84 : vector<1x144xf32> to vector<256x144xf32>
    %add3A_86 = arith.addf %dot_general3A_79, %add3A_85 : vector<256x144xf32>
    %reshape3A_87 = vector.shape_cast %add3A_72 : vector<4096x144xf32> to vector<256x16x144xf32>
    %broadcast_in_dim3A_88 = vector.shape_cast %add3A_86 : vector<256x144xf32> to vector<256x1x144xf32>
    %add3A_89 = vector.broadcast %broadcast_in_dim3A_88 : vector<256x1x144xf32> to vector<256x16x144xf32>
    %add3A_90 = arith.addf %reshape3A_87, %add3A_89 : vector<256x16x144xf32>
    %max3A = arith.constant 0.000000e+00 : f32
    %max3A_91 = vector.broadcast %max3A : f32 to vector<256x16x144xf32>
    %max3A_92 = arith.maximumf %add3A_90, %max3A_91 : vector<256x16x144xf32>
    %reshape3A_93 = vector.shape_cast %max3A_92 : vector<256x16x144xf32> to vector<4096x144xf32>
    %get3A_94 = arith.constant 0 : index
    %get3A_95 = arith.constant 0 : index
    %get3A_96 = arith.constant 0 : index
    %get3A_97 = vector.load %arg7[%get3A_94, %get3A_95, %get3A_96] : memref<2x144x4xf32, #tpu.memory_space<vmem>>, vector<1x144x4xf32>
    %get3A_98 = vector.shape_cast %get3A_97 : vector<1x144x4xf32> to vector<144x4xf32>
    %dot_general3A_99 = arith.constant dense<0.000000e+00> : vector<4096x4xf32>
    %dot_general3A_100 = tpu.matmul %reshape3A_93, %get3A_98, %dot_general3A_99 {dimension_numbers = #tpu.dot_dimension_numbers<[1], [0], [0], [1], [0, 0, 1, 1], [], []>, transpose_lhs_hint = false} : vector<4096x144xf32>, vector<144x4xf32>, vector<4096x4xf32> -> vector<4096x4xf32>
    %reshape3A_101 = vector.shape_cast %dot_general3A_100 : vector<4096x4xf32> to vector<256x16x4xf32>
    %iota3A = tpu.iota {dimensions = array<i32: 1>} : vector<256x16x4xi32>
    %mul3A_102 = arith.constant 4 : i32
    %mul3A_103 = vector.broadcast %mul3A_102 : i32 to vector<256x16x4xi32>
    %mul3A_104 = arith.muli %iota3A, %mul3A_103 : vector<256x16x4xi32>
    %iota3A_105 = tpu.iota {dimensions = array<i32: 2>} : vector<256x16x4xi32>
    %add3A_106 = arith.addi %mul3A_104, %iota3A_105 : vector<256x16x4xi32>
    %lt3A = arith.constant 50 : i32
    %lt3A_107 = vector.broadcast %lt3A : i32 to vector<256x16x4xi32>
    %lt3A_108 = arith.cmpi slt, %add3A_106, %lt3A_107 : vector<256x16x4xi32>
    %jit3A = arith.constant -1.000000e+30 : f32
    %broadcast_in_dim3A_109 = vector.broadcast %jit3A : f32 to vector<256x16x4xf32>
    %select_n3A = arith.select %lt3A_108, %reshape3A_101, %broadcast_in_dim3A_109 : vector<256x16x4xi1>, vector<256x16x4xf32>
    %reduce_max3A = arith.constant dense<0xFF800000> : vector<256x16xf32>
    %reduce_max3A_110 = vector.multi_reduction <maximumf>, %select_n3A, %reduce_max3A [2] : vector<256x16x4xf32> to vector<256x16xf32>
    %broadcast_in_dim3A_111 = vector.shape_cast %reduce_max3A_110 : vector<256x16xf32> to vector<256x16x1xf32>
    %reduce_max3A_112 = arith.constant dense<0xFF800000> : vector<256x1xf32>
    %reduce_max3A_113 = vector.multi_reduction <maximumf>, %broadcast_in_dim3A_111, %reduce_max3A_112 [1] : vector<256x16x1xf32> to vector<256x1xf32>
    %broadcast_in_dim3A_114 = vector.shape_cast %reduce_max3A_113 : vector<256x1xf32> to vector<256x1x1xf32>
    %sub3A = vector.broadcast %broadcast_in_dim3A_114 : vector<256x1x1xf32> to vector<256x16x4xf32>
    %sub3A_115 = arith.subf %select_n3A, %sub3A : vector<256x16x4xf32>
    %exp3A = math.exp %sub3A_115 : vector<256x16x4xf32>
    %reduce_sum3A = arith.constant dense<0.000000e+00> : vector<256x16xf32>
    %reduce_sum3A_116 = vector.multi_reduction <add>, %exp3A, %reduce_sum3A [2] : vector<256x16x4xf32> to vector<256x16xf32>
    %broadcast_in_dim3A_117 = vector.shape_cast %reduce_sum3A_116 : vector<256x16xf32> to vector<256x16x1xf32>
    %reduce_sum3A_118 = arith.constant dense<0.000000e+00> : vector<256x1xf32>
    %reduce_sum3A_119 = vector.multi_reduction <add>, %broadcast_in_dim3A_117, %reduce_sum3A_118 [1] : vector<256x16x1xf32> to vector<256x1xf32>
    %broadcast_in_dim3A_120 = vector.shape_cast %reduce_sum3A_119 : vector<256x1xf32> to vector<256x1x1xf32>
    %div3A = vector.broadcast %broadcast_in_dim3A_120 : vector<256x1x1xf32> to vector<256x16x4xf32>
    %div3A_121 = arith.divf %exp3A, %div3A : vector<256x16x4xf32>
    %reshape3A_122 = vector.shape_cast %div3A_121 : vector<256x16x4xf32> to vector<4096x4xf32>
    %get3A_123 = arith.constant 0 : index
    %get3A_124 = arith.constant 0 : index
    %get3A_125 = vector.load %arg8[%get3A_123, %get3A_124] : memref<4x128xf32, #tpu.memory_space<vmem>>, vector<4x128xf32>
    %dot_general3A_126 = arith.constant dense<0.000000e+00> : vector<4096x128xf32>
    %dot_general3A_127 = tpu.matmul %reshape3A_122, %get3A_125, %dot_general3A_126 {dimension_numbers = #tpu.dot_dimension_numbers<[1], [0], [0], [1], [0, 0, 1, 1], [], []>, transpose_lhs_hint = false} : vector<4096x4xf32>, vector<4x128xf32>, vector<4096x128xf32> -> vector<4096x128xf32>
    %mul3A_128 = arith.mulf %dot_general3A_127, %reshape3A_52 : vector<4096x128xf32>
    %get3A_129 = arith.constant 0 : index
    %get3A_130 = arith.constant 0 : index
    %get3A_131 = vector.load %arg9[%get3A_129, %get3A_130] : memref<128x32xf32, #tpu.memory_space<vmem>>, vector<128x32xf32>
    %dot_general3A_132 = arith.constant dense<0.000000e+00> : vector<4096x32xf32>
    %dot_general3A_133 = tpu.matmul %mul3A_128, %get3A_131, %dot_general3A_132 {dimension_numbers = #tpu.dot_dimension_numbers<[1], [0], [0], [1], [0, 0, 1, 1], [], []>, transpose_lhs_hint = false} : vector<4096x128xf32>, vector<128x32xf32>, vector<4096x32xf32> -> vector<4096x32xf32>
    %reshape3A_134 = vector.shape_cast %dot_general3A_133 : vector<4096x32xf32> to vector<256x16x32xf32>
    %reduce_sum3A_135 = arith.constant dense<0.000000e+00> : vector<256x32xf32>
    %reduce_sum3A_136 = vector.multi_reduction <add>, %reshape3A_134, %reduce_sum3A_135 [1] : vector<256x16x32xf32> to vector<256x32xf32>
    %get3A_137 = arith.constant 0 : index
    %get3A_138 = arith.constant 0 : index
    %get3A_139 = arith.constant 0 : index
    %get3A_140 = vector.load %arg10[%get3A_137, %get3A_138, %get3A_139] : memref<2x32x256xf32, #tpu.memory_space<vmem>>, vector<1x32x256xf32>
    %get3A_141 = vector.shape_cast %get3A_140 : vector<1x32x256xf32> to vector<32x256xf32>
    %dot_general3A_142 = arith.constant dense<0.000000e+00> : vector<256x256xf32>
    %dot_general3A_143 = tpu.matmul %reduce_sum3A_136, %get3A_141, %dot_general3A_142 {dimension_numbers = #tpu.dot_dimension_numbers<[1], [0], [0], [1], [0, 0, 1, 1], [], []>, transpose_lhs_hint = false} : vector<256x32xf32>, vector<32x256xf32>, vector<256x256xf32> -> vector<256x256xf32>
    %add3A_144 = arith.addf %add3A_46, %dot_general3A_143 : vector<256x256xf32>
    %get3A_145 = arith.constant 0 : index
    %get3A_146 = arith.constant 0 : index
    %get3A_147 = vector.load %arg11[%get3A_145, %get3A_146] : memref<128x256xf32, #tpu.memory_space<vmem>>, vector<128x256xf32>
    %dot_general3A_148 = arith.constant dense<0.000000e+00> : vector<256x256xf32>
    %dot_general3A_149 = tpu.matmul %squeeze3A_54, %get3A_147, %dot_general3A_148 {dimension_numbers = #tpu.dot_dimension_numbers<[1], [0], [0], [1], [0, 0, 1, 1], [], []>, transpose_lhs_hint = false} : vector<256x128xf32>, vector<128x256xf32>, vector<256x256xf32> -> vector<256x256xf32>
    %add3A_150 = arith.addf %add3A_144, %dot_general3A_149 : vector<256x256xf32>
    %slice3A_151 = vector.extract_strided_slice %reshape3A_50 {offsets = [0, 16, 0], sizes = [256, 16, 128], strides = [1, 1, 1]} : vector<256x32x128xf32> to vector<256x16x128xf32>
    %reshape3A_152 = vector.shape_cast %slice3A_151 : vector<256x16x128xf32> to vector<4096x128xf32>
    %slice3A_153 = vector.extract_strided_slice %slice3A_151 {offsets = [0, 14, 0], sizes = [256, 1, 128], strides = [1, 1, 1]} : vector<256x16x128xf32> to vector<256x1x128xf32>
    %squeeze3A_154 = vector.shape_cast %slice3A_153 : vector<256x1x128xf32> to vector<256x128xf32>
    %broadcast_in_dim3A_155 = vector.shape_cast %squeeze3A_154 : vector<256x128xf32> to vector<256x1x128xf32>
    %mul3A_156 = vector.broadcast %broadcast_in_dim3A_155 : vector<256x1x128xf32> to vector<256x16x128xf32>
    %mul3A_157 = arith.mulf %slice3A_151, %mul3A_156 : vector<256x16x128xf32>
    %reshape3A_158 = vector.shape_cast %mul3A_157 : vector<256x16x128xf32> to vector<4096x128xf32>
    %get3A_159 = arith.constant 1 : index
    %get3A_160 = arith.constant 0 : index
    %get3A_161 = arith.constant 0 : index
    %get3A_162 = vector.load %arg3[%get3A_159, %get3A_160, %get3A_161] : memref<2x128x144xf32, #tpu.memory_space<vmem>>, vector<1x128x144xf32>
    %get3A_163 = vector.shape_cast %get3A_162 : vector<1x128x144xf32> to vector<128x144xf32>
    %dot_general3A_164 = arith.constant dense<0.000000e+00> : vector<4096x144xf32>
    %dot_general3A_165 = tpu.matmul %reshape3A_152, %get3A_163, %dot_general3A_164 {dimension_numbers = #tpu.dot_dimension_numbers<[1], [0], [0], [1], [0, 0, 1, 1], [], []>, transpose_lhs_hint = false} : vector<4096x128xf32>, vector<128x144xf32>, vector<4096x144xf32> -> vector<4096x144xf32>
    %get3A_166 = arith.constant 1 : index
    %get3A_167 = arith.constant 0 : index
    %get3A_168 = arith.constant 0 : index
    %get3A_169 = vector.load %arg4[%get3A_166, %get3A_167, %get3A_168] : memref<2x128x144xf32, #tpu.memory_space<vmem>>, vector<1x128x144xf32>
    %get3A_170 = vector.shape_cast %get3A_169 : vector<1x128x144xf32> to vector<128x144xf32>
    %dot_general3A_171 = arith.constant dense<0.000000e+00> : vector<4096x144xf32>
    %dot_general3A_172 = tpu.matmul %reshape3A_158, %get3A_170, %dot_general3A_171 {dimension_numbers = #tpu.dot_dimension_numbers<[1], [0], [0], [1], [0, 0, 1, 1], [], []>, transpose_lhs_hint = false} : vector<4096x128xf32>, vector<128x144xf32>, vector<4096x144xf32> -> vector<4096x144xf32>
    %add3A_173 = arith.addf %dot_general3A_165, %dot_general3A_172 : vector<4096x144xf32>
    %get3A_174 = arith.constant 1 : index
    %get3A_175 = arith.constant 0 : index
    %get3A_176 = arith.constant 0 : index
    %get3A_177 = vector.load %arg5[%get3A_174, %get3A_175, %get3A_176] : memref<2x128x144xf32, #tpu.memory_space<vmem>>, vector<1x128x144xf32>
    %get3A_178 = vector.shape_cast %get3A_177 : vector<1x128x144xf32> to vector<128x144xf32>
    %dot_general3A_179 = arith.constant dense<0.000000e+00> : vector<256x144xf32>
    %dot_general3A_180 = tpu.matmul %squeeze3A_154, %get3A_178, %dot_general3A_179 {dimension_numbers = #tpu.dot_dimension_numbers<[1], [0], [0], [1], [0, 0, 1, 1], [], []>, transpose_lhs_hint = false} : vector<256x128xf32>, vector<128x144xf32>, vector<256x144xf32> -> vector<256x144xf32>
    %get3A_181 = arith.constant 1 : index
    %get3A_182 = arith.constant 0 : index
    %get3A_183 = arith.constant 0 : index
    %get3A_184 = vector.load %arg6[%get3A_181, %get3A_182, %get3A_183] : memref<2x1x144xf32, #tpu.memory_space<vmem>>, vector<1x1x144xf32>
    %get3A_185 = vector.shape_cast %get3A_184 : vector<1x1x144xf32> to vector<1x144xf32>
    %add3A_186 = vector.broadcast %get3A_185 : vector<1x144xf32> to vector<256x144xf32>
    %add3A_187 = arith.addf %dot_general3A_180, %add3A_186 : vector<256x144xf32>
    %reshape3A_188 = vector.shape_cast %add3A_173 : vector<4096x144xf32> to vector<256x16x144xf32>
    %broadcast_in_dim3A_189 = vector.shape_cast %add3A_187 : vector<256x144xf32> to vector<256x1x144xf32>
    %add3A_190 = vector.broadcast %broadcast_in_dim3A_189 : vector<256x1x144xf32> to vector<256x16x144xf32>
    %add3A_191 = arith.addf %reshape3A_188, %add3A_190 : vector<256x16x144xf32>
    %max3A_192 = arith.constant 0.000000e+00 : f32
    %max3A_193 = vector.broadcast %max3A_192 : f32 to vector<256x16x144xf32>
    %max3A_194 = arith.maximumf %add3A_191, %max3A_193 : vector<256x16x144xf32>
    %reshape3A_195 = vector.shape_cast %max3A_194 : vector<256x16x144xf32> to vector<4096x144xf32>
    %get3A_196 = arith.constant 1 : index
    %get3A_197 = arith.constant 0 : index
    %get3A_198 = arith.constant 0 : index
    %get3A_199 = vector.load %arg7[%get3A_196, %get3A_197, %get3A_198] : memref<2x144x4xf32, #tpu.memory_space<vmem>>, vector<1x144x4xf32>
    %get3A_200 = vector.shape_cast %get3A_199 : vector<1x144x4xf32> to vector<144x4xf32>
    %dot_general3A_201 = arith.constant dense<0.000000e+00> : vector<4096x4xf32>
    %dot_general3A_202 = tpu.matmul %reshape3A_195, %get3A_200, %dot_general3A_201 {dimension_numbers = #tpu.dot_dimension_numbers<[1], [0], [0], [1], [0, 0, 1, 1], [], []>, transpose_lhs_hint = false} : vector<4096x144xf32>, vector<144x4xf32>, vector<4096x4xf32> -> vector<4096x4xf32>
    %reshape3A_203 = vector.shape_cast %dot_general3A_202 : vector<4096x4xf32> to vector<256x16x4xf32>
    %iota3A_204 = tpu.iota {dimensions = array<i32: 1>} : vector<256x16x4xi32>
    %mul3A_205 = arith.constant 4 : i32
    %mul3A_206 = vector.broadcast %mul3A_205 : i32 to vector<256x16x4xi32>
    %mul3A_207 = arith.muli %iota3A_204, %mul3A_206 : vector<256x16x4xi32>
    %iota3A_208 = tpu.iota {dimensions = array<i32: 2>} : vector<256x16x4xi32>
    %add3A_209 = arith.addi %mul3A_207, %iota3A_208 : vector<256x16x4xi32>
    %lt3A_210 = arith.constant 50 : i32
    %lt3A_211 = vector.broadcast %lt3A_210 : i32 to vector<256x16x4xi32>
    %lt3A_212 = arith.cmpi slt, %add3A_209, %lt3A_211 : vector<256x16x4xi32>
    %jit3A_213 = arith.constant -1.000000e+30 : f32
    %broadcast_in_dim3A_214 = vector.broadcast %jit3A_213 : f32 to vector<256x16x4xf32>
    %select_n3A_215 = arith.select %lt3A_212, %reshape3A_203, %broadcast_in_dim3A_214 : vector<256x16x4xi1>, vector<256x16x4xf32>
    %reduce_max3A_216 = arith.constant dense<0xFF800000> : vector<256x16xf32>
    %reduce_max3A_217 = vector.multi_reduction <maximumf>, %select_n3A_215, %reduce_max3A_216 [2] : vector<256x16x4xf32> to vector<256x16xf32>
    %broadcast_in_dim3A_218 = vector.shape_cast %reduce_max3A_217 : vector<256x16xf32> to vector<256x16x1xf32>
    %reduce_max3A_219 = arith.constant dense<0xFF800000> : vector<256x1xf32>
    %reduce_max3A_220 = vector.multi_reduction <maximumf>, %broadcast_in_dim3A_218, %reduce_max3A_219 [1] : vector<256x16x1xf32> to vector<256x1xf32>
    %broadcast_in_dim3A_221 = vector.shape_cast %reduce_max3A_220 : vector<256x1xf32> to vector<256x1x1xf32>
    %sub3A_222 = vector.broadcast %broadcast_in_dim3A_221 : vector<256x1x1xf32> to vector<256x16x4xf32>
    %sub3A_223 = arith.subf %select_n3A_215, %sub3A_222 : vector<256x16x4xf32>
    %exp3A_224 = math.exp %sub3A_223 : vector<256x16x4xf32>
    %reduce_sum3A_225 = arith.constant dense<0.000000e+00> : vector<256x16xf32>
    %reduce_sum3A_226 = vector.multi_reduction <add>, %exp3A_224, %reduce_sum3A_225 [2] : vector<256x16x4xf32> to vector<256x16xf32>
    %broadcast_in_dim3A_227 = vector.shape_cast %reduce_sum3A_226 : vector<256x16xf32> to vector<256x16x1xf32>
    %reduce_sum3A_228 = arith.constant dense<0.000000e+00> : vector<256x1xf32>
    %reduce_sum3A_229 = vector.multi_reduction <add>, %broadcast_in_dim3A_227, %reduce_sum3A_228 [1] : vector<256x16x1xf32> to vector<256x1xf32>
    %broadcast_in_dim3A_230 = vector.shape_cast %reduce_sum3A_229 : vector<256x1xf32> to vector<256x1x1xf32>
    %div3A_231 = vector.broadcast %broadcast_in_dim3A_230 : vector<256x1x1xf32> to vector<256x16x4xf32>
    %div3A_232 = arith.divf %exp3A_224, %div3A_231 : vector<256x16x4xf32>
    %reshape3A_233 = vector.shape_cast %div3A_232 : vector<256x16x4xf32> to vector<4096x4xf32>
    %get3A_234 = arith.constant 0 : index
    %get3A_235 = arith.constant 0 : index
    %get3A_236 = vector.load %arg8[%get3A_234, %get3A_235] : memref<4x128xf32, #tpu.memory_space<vmem>>, vector<4x128xf32>
    %dot_general3A_237 = arith.constant dense<0.000000e+00> : vector<4096x128xf32>
    %dot_general3A_238 = tpu.matmul %reshape3A_233, %get3A_236, %dot_general3A_237 {dimension_numbers = #tpu.dot_dimension_numbers<[1], [0], [0], [1], [0, 0, 1, 1], [], []>, transpose_lhs_hint = false} : vector<4096x4xf32>, vector<4x128xf32>, vector<4096x128xf32> -> vector<4096x128xf32>
    %mul3A_239 = arith.mulf %dot_general3A_238, %reshape3A_152 : vector<4096x128xf32>
    %get3A_240 = arith.constant 0 : index
    %get3A_241 = arith.constant 0 : index
    %get3A_242 = vector.load %arg9[%get3A_240, %get3A_241] : memref<128x32xf32, #tpu.memory_space<vmem>>, vector<128x32xf32>
    %dot_general3A_243 = arith.constant dense<0.000000e+00> : vector<4096x32xf32>
    %dot_general3A_244 = tpu.matmul %mul3A_239, %get3A_242, %dot_general3A_243 {dimension_numbers = #tpu.dot_dimension_numbers<[1], [0], [0], [1], [0, 0, 1, 1], [], []>, transpose_lhs_hint = false} : vector<4096x128xf32>, vector<128x32xf32>, vector<4096x32xf32> -> vector<4096x32xf32>
    %reshape3A_245 = vector.shape_cast %dot_general3A_244 : vector<4096x32xf32> to vector<256x16x32xf32>
    %reduce_sum3A_246 = arith.constant dense<0.000000e+00> : vector<256x32xf32>
    %reduce_sum3A_247 = vector.multi_reduction <add>, %reshape3A_245, %reduce_sum3A_246 [1] : vector<256x16x32xf32> to vector<256x32xf32>
    %get3A_248 = arith.constant 1 : index
    %get3A_249 = arith.constant 0 : index
    %get3A_250 = arith.constant 0 : index
    %get3A_251 = vector.load %arg10[%get3A_248, %get3A_249, %get3A_250] : memref<2x32x256xf32, #tpu.memory_space<vmem>>, vector<1x32x256xf32>
    %get3A_252 = vector.shape_cast %get3A_251 : vector<1x32x256xf32> to vector<32x256xf32>
    %dot_general3A_253 = arith.constant dense<0.000000e+00> : vector<256x256xf32>
    %dot_general3A_254 = tpu.matmul %reduce_sum3A_247, %get3A_252, %dot_general3A_253 {dimension_numbers = #tpu.dot_dimension_numbers<[1], [0], [0], [1], [0, 0, 1, 1], [], []>, transpose_lhs_hint = false} : vector<256x32xf32>, vector<32x256xf32>, vector<256x256xf32> -> vector<256x256xf32>
    %add3A_255 = arith.addf %add3A_150, %dot_general3A_254 : vector<256x256xf32>
    %get3A_256 = arith.constant 0 : index
    %get3A_257 = arith.constant 0 : index
    %get3A_258 = vector.load %arg12[%get3A_256, %get3A_257] : memref<128x256xf32, #tpu.memory_space<vmem>>, vector<128x256xf32>
    %dot_general3A_259 = arith.constant dense<0.000000e+00> : vector<256x256xf32>
    %dot_general3A_260 = tpu.matmul %squeeze3A_154, %get3A_258, %dot_general3A_259 {dimension_numbers = #tpu.dot_dimension_numbers<[1], [0], [0], [1], [0, 0, 1, 1], [], []>, transpose_lhs_hint = false} : vector<256x128xf32>, vector<128x256xf32>, vector<256x256xf32> -> vector<256x256xf32>
    %add3A_261 = arith.addf %add3A_255, %dot_general3A_260 : vector<256x256xf32>
    %get3A_262 = arith.constant 0 : index
    %get3A_263 = arith.constant 0 : index
    %get3A_264 = vector.load %arg14[%get3A_262, %get3A_263] : memref<1x256xf32, #tpu.memory_space<vmem>>, vector<1x256xf32>
    %add3A_265 = vector.broadcast %get3A_264 : vector<1x256xf32> to vector<256x256xf32>
    %add3A_266 = arith.addf %add3A_261, %add3A_265 : vector<256x256xf32>
    %mul3A_267 = arith.constant 256 : i32
    %mul3A_268 = arith.muli %arg0, %mul3A_267 : i32
    %swap3A = arith.index_cast %mul3A_268 : i32 to index
    %swap3A_269 = arith.constant 0 : index
    %swap3A_270 = vector.load %arg22[%swap3A, %swap3A_269] : memref<4096x256xf32, #tpu.memory_space<vmem>>, vector<256x256xf32>
    tpu.vector_store %arg22[%swap3A, %swap3A_269], %add3A_266 {strides = array<i32>} : memref<4096x256xf32, #tpu.memory_space<vmem>>, vector<256x256xf32>,
    %eq3A = arith.constant 15 : i32
    %eq3A_271 = arith.cmpi eq, %arg0, %eq3A : i32
    %convert_element_type3A = arith.extui %eq3A_271 : i1 to i32
    %cond3A = arith.constant 0 : i32
    %cond3A_272 = arith.cmpi ne, %convert_element_type3A, %cond3A : i32
    scf.if %cond3A_272 {
      %get3A_273 = arith.constant 0 : index
      %get3A_274 = arith.constant 0 : index
      %get3A_275 = vector.load %arg22[%get3A_273, %get3A_274] : memref<4096x256xf32, #tpu.memory_space<vmem>>, vector<4096x256xf32>
      %reduce_sum3A_276 = arith.constant dense<0.000000e+00> : vector<256xf32>
      %reduce_sum3A_277 = vector.multi_reduction <add>, %get3A_275, %reduce_sum3A_276 [0] : vector<4096x256xf32> to vector<256xf32>
      %broadcast_in_dim3A_278 = vector.shape_cast %reduce_sum3A_277 : vector<256xf32> to vector<1x256xf32>
      %mul3A_279 = arith.constant 2.44140625E-4 : f32
      %mul3A_280 = vector.broadcast %mul3A_279 : f32 to vector<1x256xf32>
      %mul3A_281 = arith.mulf %broadcast_in_dim3A_278, %mul3A_280 : vector<1x256xf32>
      %sub3A_282 = vector.broadcast %mul3A_281 : vector<1x256xf32> to vector<4096x256xf32>
      %sub3A_283 = arith.subf %get3A_275, %sub3A_282 : vector<4096x256xf32>
      %integer_pow3A = arith.mulf %sub3A_283, %sub3A_283 : vector<4096x256xf32>
      %reduce_sum3A_284 = arith.constant dense<0.000000e+00> : vector<256xf32>
      %reduce_sum3A_285 = vector.multi_reduction <add>, %integer_pow3A, %reduce_sum3A_284 [0] : vector<4096x256xf32> to vector<256xf32>
      %broadcast_in_dim3A_286 = vector.shape_cast %reduce_sum3A_285 : vector<256xf32> to vector<1x256xf32>
      %mul3A_287 = arith.constant 2.44140625E-4 : f32
      %mul3A_288 = vector.broadcast %mul3A_287 : f32 to vector<1x256xf32>
      %mul3A_289 = arith.mulf %broadcast_in_dim3A_286, %mul3A_288 : vector<1x256xf32>
      %sub3A_290 = vector.broadcast %mul3A_281 : vector<1x256xf32> to vector<4096x256xf32>
      %sub3A_291 = arith.subf %get3A_275, %sub3A_290 : vector<4096x256xf32>
      %add3A_292 = arith.constant 9.99999993E-9 : f32
      %add3A_293 = vector.broadcast %add3A_292 : f32 to vector<1x256xf32>
      %add3A_294 = arith.addf %mul3A_289, %add3A_293 : vector<1x256xf32>
      %rsqrt3A = math.rsqrt %add3A_294 : vector<1x256xf32>
      %mul3A_295 = vector.broadcast %rsqrt3A : vector<1x256xf32> to vector<4096x256xf32>
      %mul3A_296 = arith.mulf %sub3A_291, %mul3A_295 : vector<4096x256xf32>
      %logistic3A = arith.negf %mul3A_296 : vector<4096x256xf32>
      %logistic3A_297 = math.exp %logistic3A : vector<4096x256xf32>
      %logistic3A_298 = arith.constant 1.000000e+00 : f32
      %logistic3A_299 = vector.broadcast %logistic3A_298 : f32 to vector<4096x256xf32>
      %logistic3A_300 = arith.addf %logistic3A_299, %logistic3A_297 : vector<4096x256xf32>
      %logistic3A_301 = arith.divf %logistic3A_299, %logistic3A_300 : vector<4096x256xf32>
      %mul3A_302 = arith.mulf %logistic3A_301, %get3A_275 : vector<4096x256xf32>
      %sub3A_303 = arith.constant 1.000000e+00 : f32
      %sub3A_304 = vector.broadcast %sub3A_303 : f32 to vector<4096x256xf32>
      %sub3A_305 = arith.subf %sub3A_304, %logistic3A_301 : vector<4096x256xf32>
      %get3A_306 = arith.constant 0 : index
      %get3A_307 = arith.constant 0 : index
      %get3A_308 = vector.load %arg15[%get3A_306, %get3A_307] : memref<1x256xf32, #tpu.memory_space<vmem>>, vector<1x256xf32>
      %mul3A_309 = vector.broadcast %get3A_308 : vector<1x256xf32> to vector<4096x256xf32>
      %mul3A_310 = arith.mulf %sub3A_305, %mul3A_309 : vector<4096x256xf32>
      %mul3A_311 = arith.mulf %mul3A_310, %get3A_275 : vector<4096x256xf32>
      %add3A_312 = arith.addf %mul3A_302, %mul3A_311 : vector<4096x256xf32>
      %get3A_313 = arith.constant 0 : index
      %get3A_314 = arith.constant 0 : index
      %get3A_315 = vector.load %arg16[%get3A_313, %get3A_314] : memref<256x128xf32, #tpu.memory_space<vmem>>, vector<256x128xf32>
      %dot_general3A_316 = arith.constant dense<0.000000e+00> : vector<4096x128xf32>
      %dot_general3A_317 = tpu.matmul %add3A_312, %get3A_315, %dot_general3A_316 {dimension_numbers = #tpu.dot_dimension_numbers<[1], [0], [0], [1], [0, 0, 1, 1], [], []>, transpose_lhs_hint = false} : vector<4096x256xf32>, vector<256x128xf32>, vector<4096x128xf32> -> vector<4096x128xf32>
      %get3A_318 = arith.constant 0 : index
      %get3A_319 = arith.constant 0 : index
      %get3A_320 = vector.load %arg17[%get3A_318, %get3A_319] : memref<1x128xf32, #tpu.memory_space<vmem>>, vector<1x128xf32>
      %add3A_321 = vector.broadcast %get3A_320 : vector<1x128xf32> to vector<4096x128xf32>
      %add3A_322 = arith.addf %dot_general3A_317, %add3A_321 : vector<4096x128xf32>
      %reduce_sum3A_323 = arith.constant dense<0.000000e+00> : vector<128xf32>
      %reduce_sum3A_324 = vector.multi_reduction <add>, %add3A_322, %reduce_sum3A_323 [0] : vector<4096x128xf32> to vector<128xf32>
      %broadcast_in_dim3A_325 = vector.shape_cast %reduce_sum3A_324 : vector<128xf32> to vector<1x128xf32>
      %mul3A_326 = arith.constant 2.44140625E-4 : f32
      %mul3A_327 = vector.broadcast %mul3A_326 : f32 to vector<1x128xf32>
      %mul3A_328 = arith.mulf %broadcast_in_dim3A_325, %mul3A_327 : vector<1x128xf32>
      %sub3A_329 = vector.broadcast %mul3A_328 : vector<1x128xf32> to vector<4096x128xf32>
      %sub3A_330 = arith.subf %add3A_322, %sub3A_329 : vector<4096x128xf32>
      %integer_pow3A_331 = arith.mulf %sub3A_330, %sub3A_330 : vector<4096x128xf32>
      %reduce_sum3A_332 = arith.constant dense<0.000000e+00> : vector<128xf32>
      %reduce_sum3A_333 = vector.multi_reduction <add>, %integer_pow3A_331, %reduce_sum3A_332 [0] : vector<4096x128xf32> to vector<128xf32>
      %broadcast_in_dim3A_334 = vector.shape_cast %reduce_sum3A_333 : vector<128xf32> to vector<1x128xf32>
      %mul3A_335 = arith.constant 2.44140625E-4 : f32
      %mul3A_336 = vector.broadcast %mul3A_335 : f32 to vector<1x128xf32>
      %mul3A_337 = arith.mulf %broadcast_in_dim3A_334, %mul3A_336 : vector<1x128xf32>
      %sub3A_338 = vector.broadcast %mul3A_328 : vector<1x128xf32> to vector<4096x128xf32>
      %sub3A_339 = arith.subf %add3A_322, %sub3A_338 : vector<4096x128xf32>
      %add3A_340 = arith.constant 9.99999993E-9 : f32
      %add3A_341 = vector.broadcast %add3A_340 : f32 to vector<1x128xf32>
      %add3A_342 = arith.addf %mul3A_337, %add3A_341 : vector<1x128xf32>
      %rsqrt3A_343 = math.rsqrt %add3A_342 : vector<1x128xf32>
      %mul3A_344 = vector.broadcast %rsqrt3A_343 : vector<1x128xf32> to vector<4096x128xf32>
      %mul3A_345 = arith.mulf %sub3A_339, %mul3A_344 : vector<4096x128xf32>
      %logistic3A_346 = arith.negf %mul3A_345 : vector<4096x128xf32>
      %logistic3A_347 = math.exp %logistic3A_346 : vector<4096x128xf32>
      %logistic3A_348 = arith.constant 1.000000e+00 : f32
      %logistic3A_349 = vector.broadcast %logistic3A_348 : f32 to vector<4096x128xf32>
      %logistic3A_350 = arith.addf %logistic3A_349, %logistic3A_347 : vector<4096x128xf32>
      %logistic3A_351 = arith.divf %logistic3A_349, %logistic3A_350 : vector<4096x128xf32>
      %mul3A_352 = arith.mulf %logistic3A_351, %add3A_322 : vector<4096x128xf32>
      %sub3A_353 = arith.constant 1.000000e+00 : f32
      %sub3A_354 = vector.broadcast %sub3A_353 : f32 to vector<4096x128xf32>
      %sub3A_355 = arith.subf %sub3A_354, %logistic3A_351 : vector<4096x128xf32>
      %get3A_356 = arith.constant 0 : index
      %get3A_357 = arith.constant 0 : index
      %get3A_358 = vector.load %arg18[%get3A_356, %get3A_357] : memref<1x128xf32, #tpu.memory_space<vmem>>, vector<1x128xf32>
      %mul3A_359 = vector.broadcast %get3A_358 : vector<1x128xf32> to vector<4096x128xf32>
      %mul3A_360 = arith.mulf %sub3A_355, %mul3A_359 : vector<4096x128xf32>
      %mul3A_361 = arith.mulf %mul3A_360, %add3A_322 : vector<4096x128xf32>
      %add3A_362 = arith.addf %mul3A_352, %mul3A_361 : vector<4096x128xf32>
      %get3A_363 = arith.constant 0 : index
      %get3A_364 = arith.constant 0 : index
      %get3A_365 = vector.load %arg19[%get3A_363, %get3A_364] : memref<128x1xf32, #tpu.memory_space<vmem>>, vector<128x1xf32>
      %dot_general3A_366 = arith.constant dense<0.000000e+00> : vector<4096x1xf32>
      %dot_general3A_367 = tpu.matmul %add3A_362, %get3A_365, %dot_general3A_366 {dimension_numbers = #tpu.dot_dimension_numbers<[1], [0], [0], [1], [0, 0, 1, 1], [], []>, transpose_lhs_hint = false} : vector<4096x128xf32>, vector<128x1xf32>, vector<4096x1xf32> -> vector<4096x1xf32>
      %get3A_368 = arith.constant 0 : index
      %get3A_369 = arith.constant 0 : index
      %get3A_370 = vector.load %arg20[%get3A_368, %get3A_369] : memref<1x1xf32, #tpu.memory_space<vmem>>, vector<1x1xf32>
      %add3A_371 = vector.broadcast %get3A_370 : vector<1x1xf32> to vector<4096x1xf32>
      %add3A_372 = arith.addf %dot_general3A_367, %add3A_371 : vector<4096x1xf32>
      %logistic3A_373 = arith.negf %add3A_372 : vector<4096x1xf32>
      %logistic3A_374 = math.exp %logistic3A_373 : vector<4096x1xf32>
      %logistic3A_375 = arith.constant 1.000000e+00 : f32
      %logistic3A_376 = vector.broadcast %logistic3A_375 : f32 to vector<4096x1xf32>
      %logistic3A_377 = arith.addf %logistic3A_376, %logistic3A_374 : vector<4096x1xf32>
      %logistic3A_378 = arith.divf %logistic3A_376, %logistic3A_377 : vector<4096x1xf32>
      %swap3A_379 = arith.constant 0 : index
      %swap3A_380 = arith.constant 0 : index
      %swap3A_381 = vector.load %arg21[%swap3A_379, %swap3A_380] : memref<4096x1xf32, #tpu.memory_space<vmem>>, vector<4096x1xf32>
      tpu.vector_store %arg21[%swap3A_379, %swap3A_380], %logistic3A_378 {strides = array<i32>} : memref<4096x1xf32, #tpu.memory_space<vmem>>, vector<4096x1xf32>,
    } else {
    }
    return
  }
  func.func @transform_0(%arg0: i32) -> (i32, i32) {
    %c0_i32 = arith.constant 0 : i32
    %c0_i32_0 = arith.constant 0 : i32
    return %arg0, %c0_i32 : i32, i32
  }
  func.func @transform_1(%arg0: i32) -> (i32, i32) {
    %c0_i32 = arith.constant 0 : i32
    %c0_i32_0 = arith.constant 0 : i32
    return %arg0, %c0_i32 : i32, i32
  }
  func.func @transform_2(%arg0: i32) -> (i32, i32, i32) {
    %c0_i32 = arith.constant 0 : i32
    %c0_i32_0 = arith.constant 0 : i32
    %c0_i32_1 = arith.constant 0 : i32
    %c0_i32_2 = arith.constant 0 : i32
    return %c0_i32, %c0_i32_0, %c0_i32_1 : i32, i32, i32
  }
  func.func @transform_3(%arg0: i32) -> (i32, i32, i32) {
    %c0_i32 = arith.constant 0 : i32
    %c0_i32_0 = arith.constant 0 : i32
    %c0_i32_1 = arith.constant 0 : i32
    %c0_i32_2 = arith.constant 0 : i32
    return %c0_i32, %c0_i32_0, %c0_i32_1 : i32, i32, i32
  }
  func.func @transform_4(%arg0: i32) -> (i32, i32, i32) {
    %c0_i32 = arith.constant 0 : i32
    %c0_i32_0 = arith.constant 0 : i32
    %c0_i32_1 = arith.constant 0 : i32
    %c0_i32_2 = arith.constant 0 : i32
    return %c0_i32, %c0_i32_0, %c0_i32_1 : i32, i32, i32
  }
  func.func @transform_5(%arg0: i32) -> (i32, i32, i32) {
    %c0_i32 = arith.constant 0 : i32
    %c0_i32_0 = arith.constant 0 : i32
    %c0_i32_1 = arith.constant 0 : i32
    %c0_i32_2 = arith.constant 0 : i32
    return %c0_i32, %c0_i32_0, %c0_i32_1 : i32, i32, i32
  }
  func.func @transform_6(%arg0: i32) -> (i32, i32, i32) {
    %c0_i32 = arith.constant 0 : i32
    %c0_i32_0 = arith.constant 0 : i32
    %c0_i32_1 = arith.constant 0 : i32
    %c0_i32_2 = arith.constant 0 : i32
    return %c0_i32, %c0_i32_0, %c0_i32_1 : i32, i32, i32
  }
  func.func @transform_7(%arg0: i32) -> (i32, i32) {
    %c0_i32 = arith.constant 0 : i32
    %c0_i32_0 = arith.constant 0 : i32
    %c0_i32_1 = arith.constant 0 : i32
    return %c0_i32, %c0_i32_0 : i32, i32
  }
  func.func @transform_8(%arg0: i32) -> (i32, i32) {
    %c0_i32 = arith.constant 0 : i32
    %c0_i32_0 = arith.constant 0 : i32
    %c0_i32_1 = arith.constant 0 : i32
    return %c0_i32, %c0_i32_0 : i32, i32
  }
  func.func @transform_9(%arg0: i32) -> (i32, i32, i32) {
    %c0_i32 = arith.constant 0 : i32
    %c0_i32_0 = arith.constant 0 : i32
    %c0_i32_1 = arith.constant 0 : i32
    %c0_i32_2 = arith.constant 0 : i32
    return %c0_i32, %c0_i32_0, %c0_i32_1 : i32, i32, i32
  }
  func.func @transform_10(%arg0: i32) -> (i32, i32) {
    %c0_i32 = arith.constant 0 : i32
    %c0_i32_0 = arith.constant 0 : i32
    %c0_i32_1 = arith.constant 0 : i32
    return %c0_i32, %c0_i32_0 : i32, i32
  }
  func.func @transform_11(%arg0: i32) -> (i32, i32) {
    %c0_i32 = arith.constant 0 : i32
    %c0_i32_0 = arith.constant 0 : i32
    %c0_i32_1 = arith.constant 0 : i32
    return %c0_i32, %c0_i32_0 : i32, i32
  }
  func.func @transform_12(%arg0: i32) -> (i32, i32) {
    %c0_i32 = arith.constant 0 : i32
    %c0_i32_0 = arith.constant 0 : i32
    %c0_i32_1 = arith.constant 0 : i32
    return %c0_i32, %c0_i32_0 : i32, i32
  }
  func.func @transform_13(%arg0: i32) -> (i32, i32) {
    %c0_i32 = arith.constant 0 : i32
    %c0_i32_0 = arith.constant 0 : i32
    %c0_i32_1 = arith.constant 0 : i32
    return %c0_i32, %c0_i32_0 : i32, i32
  }
  func.func @transform_14(%arg0: i32) -> (i32, i32) {
    %c0_i32 = arith.constant 0 : i32
    %c0_i32_0 = arith.constant 0 : i32
    %c0_i32_1 = arith.constant 0 : i32
    return %c0_i32, %c0_i32_0 : i32, i32
  }
  func.func @transform_15(%arg0: i32) -> (i32, i32) {
    %c0_i32 = arith.constant 0 : i32
    %c0_i32_0 = arith.constant 0 : i32
    %c0_i32_1 = arith.constant 0 : i32
    return %c0_i32, %c0_i32_0 : i32, i32
  }
  func.func @transform_16(%arg0: i32) -> (i32, i32) {
    %c0_i32 = arith.constant 0 : i32
    %c0_i32_0 = arith.constant 0 : i32
    %c0_i32_1 = arith.constant 0 : i32
    return %c0_i32, %c0_i32_0 : i32, i32
  }
  func.func @transform_17(%arg0: i32) -> (i32, i32) {
    %c0_i32 = arith.constant 0 : i32
    %c0_i32_0 = arith.constant 0 : i32
    %c0_i32_1 = arith.constant 0 : i32
    return %c0_i32, %c0_i32_0 : i32, i32
  }
  func.func @transform_18(%arg0: i32) -> (i32, i32) {
    %c0_i32 = arith.constant 0 : i32
    %c0_i32_0 = arith.constant 0 : i32
    %c0_i32_1 = arith.constant 0 : i32
    return %c0_i32, %c0_i32_0 : i32, i32
  }
  func.func @transform_19(%arg0: i32) -> (i32, i32) {
    %c0_i32 = arith.constant 0 : i32
    %c0_i32_0 = arith.constant 0 : i32
    %c0_i32_1 = arith.constant 0 : i32
    return %c0_i32, %c0_i32_0 : i32, i32
  }
  func.func @transform_20(%arg0: i32) -> (i32, i32) {
    %c0_i32 = arith.constant 0 : i32
    %c0_i32_0 = arith.constant 0 : i32
    %c0_i32_1 = arith.constant 0 : i32
    return %c0_i32, %c0_i32_0 : i32, i32
  }
}

</mosaic_0001>

<sc_bundles>
// kernel: kernel.4.cloned.1.call-start
scs
__scs_entry_jumppad:
0x0: {  	(pc) =	sbr.rel $0x88, $3  }
0x1: {  	(tag) =	ssettag $0x0;
	lr =	simm.s32 $0x1  }
0x2: {  	[smem:$0x3F91] =	sst lr;
	_ =	strace $0xD0000000  }
0x3: {  	_ = 	snop  }
0x4: {  	_ = 	snop  }
0x5: {  	_ = 	snop  }
0x6: {  	_ = 	snop  }
0x7: {  	_ = 	snop  }
__scs_overlays_trampoline_lowered:
0x8: {  	[smem:$0x3FA0] =	sst s0  }
0x9: {  	[smem:$0x3FA1] =	sst s1  }
0xa: {  	[smem:$0x3FA2] =	sst s2  }
0xb: {  	[smem:$0x3FA3] =	sst s3  }
0xc: {  	[smem:$0x3FA4] =	sst s4  }
0xd: {  	[smem:$0x3FA5] =	sst s5  }
0xe: {  	[smem:$0x3FA6] =	sst s6  }
0xf: {  	[smem:$0x3FA7] =	sst s7  }
0x10: {  	[smem:$0x3FA8] =	sst s8  }
0x11: {  	[smem:$0x3FA9] =	sst s9;
	s0 =	simm.s32 @!p0 $0x0  }
0x12: {  	s1 =	sld [smem:$0x3F8F];
	s0 =	simm.s32 @p0 $0x1  }
0x13: {  	[smem:$0x3FAA] =	sst s0;
	s0 =	simm.s32 @!p1 $0x0  }
0x14: {  	s2 =	sld [smem:$0x3F8E];
	s0 =	simm.s32 @p1 $0x1  }
0x15: {  	[smem:$0x3FAB] =	sst s0;
	s0 =	simm.s32 @!p2 $0x0  }
0x16: {  	s3 =	sld [smem:$0x3FDB];
	s0 =	simm.s32 @p2 $0x1  }
0x17: {  	s4 =	simm.s32 $0x1BF5;
	[smem:$0x3FAD] =	sst s0  }
0x18: {  	s0 =	sld [smem:$0x3F90];
	_ =	swait.ge [sflag:s4], $0x0  }
0x19: {  	s7 =	sld [smem:$0x3F91]  }
0x1a: {  	s8 =	sadd.s32 $0xFFFFE003, lr  }
0x1b: {  	s9 =	sadd.s32 $0xFFFFFEF7, lr;
	s5 =	simm.s32 $0xFFFFFFFF;
	p2 =	slt.u32 s8, $0xFFFFF086  }
0x1c: {  	p1 =	slt.u32 s9, $0xF7A;
	s5 =	simm.s32 @!p2 $0x0  }
0x1d: {  	s5 =	simm.s32 @p1 $0x1;
	p0 =	seq.s32 s7, s2  }
0x1e: {  	s7 =	smul.u32 @!p0 $0xF7A, s2;
	p2 =	seq.s32 @!p0 s5, $0x0  }
0x1f: {  	s9 =	smul.u32 $0xF7A, s1;
	s8 =	simm.s32 @!p0 $0x1BF5;
	p2 =	por !p2, p0  }
0x20: {  	[sflag:s8] =	ssyncset.s32 @!p0 $0xFFFFF086;
	s6 =	sadd.s32 @!p0 s3, s7;
	s7 =	simm.s32 @!p0 $0x108  }
0x21: {  	s3 =	sadd.s32 s3, s9;
	s6 =	sadd.s32 @!p0 $0x88, s6;
	s7 =	simm.s32 @p2 $0x1082  }
0x22: {  	[simem:s7], [sflag:s8] =	dma.local @!p0 [hbm:s6], $0xF7A  }
0x23: {  	s9 =	sor.u32 $0xD0000000, s2;
	s6 =	simm.s32 $0x108;
	_ =	swait.ge @!p0 [sflag:s8], $0x0  }
0x24: {  	s3 =	sadd.s32 $0x88, s3;
	s6 =	simm.s32 @!p1 $0x1082;
	[sflag:s4] =	ssyncset.s32 $0xFFFFF086  }
0x25: {  	[simem:s6], [sflag:s4] =	dma.local [hbm:s3], $0xF7A  }
0x26: {  	[smem:$0x3F91] =	sst s1;
	(tag) =	ssettag s2;
	_ =	strace s9  }
0x27: {  	s1 =	sld [smem:$0x3FA1]  }
0x28: {  	s2 =	sld [smem:$0x3FA2]  }
0x29: {  	s4 =	sld [smem:$0x3FA4]  }
0x2a: {  	p0 =	seq.s32 s5, $0x0;
	s5 =	sld [smem:$0x3FA5]  }
0x2b: {  	s6 =	sld [smem:$0x3FA6]  }
0x2c: {  	s7 =	sld [smem:$0x3FA7]  }
0x2d: {  	s3 =	simm.s32 $0x108;
	s8 =	sld [smem:$0x3FA8]  }
0x2e: {  	s3 =	simm.s32 @!p0 $0x1082;
	s9 =	sld [smem:$0x3FA9]  }
0x2f: {  	lr =	sadd.s32 s0, s3;
	s0 =	sld [smem:$0x3FA0]  }
0x30: {  	s3 =	sld [smem:$0x3FA3]  }
0x31: {  	[smem:$0x3FAC] =	sst s10  }
0x32: {  	s10 =	sld [smem:$0x3FAA];
	_ =	sdelay $0x3  }
0x33: {  	p0 =	seq.s32 s10, $0x1;
	s10 =	sld [smem:$0x3FAC];
	_ =	sdelay $0x3  }
0x34: {  	[smem:$0x3FAC] =	sst s10  }
0x35: {  	s10 =	sld [smem:$0x3FAB];
	_ =	sdelay $0x3  }
0x36: {  	p1 =	seq.s32 s10, $0x1;
	s10 =	sld [smem:$0x3FAC];
	_ =	sdelay $0x3  }
0x37: {  	[smem:$0x3FAC] =	sst s10  }
0x38: {  	s10 =	sld [smem:$0x3FAD]  }
0x39: {  	_ = 	snop;
	(pc) =	sbr.ind lr, $3  }
0x3a: {  	_ = 	snop  }
0x3b: {  	_ = 	snop  }
0x3c: {  	p2 =	seq.s32 s10, $0x1;
	s10 =	sld [smem:$0x3FAC]  }
0x3d: {  	_ =	shalt  }
0x3e: {  	_ =	shalt  }
0x3f: {  	_ =	shalt  }
0x40: {  	_ =	shalt  }
0x41: {  	_ =	shalt  }
0x42: {  	_ =	shalt  }
0x43: {  	_ =	shalt  }
0x44: {  	_ =	shalt  }
0x45: {  	_ =	shalt  }
0x46: {  	_ =	shalt  }
0x47: {  	_ =	shalt  }
0x48: {  	_ =	shalt  }
0x49: {  	_ =	shalt  }
0x4a: {  	_ =	shalt  }
0x4b: {  	_ =	shalt  }
0x4c: {  	_ =	shalt  }
0x4d: {  	_ =	shalt  }
0x4e: {  	_ =	shalt  }
0x4f: {  	_ =	shalt  }
0x50: {  	_ =	shalt  }
0x51: {  	_ =	shalt  }
0x52: {  	_ =	shalt  }
0x53: {  	_ =	shalt  }
0x54: {  	_ =	shalt  }
0x55: {  	_ =	shalt  }
0x56: {  	_ =	shalt  }
0x57: {  	_ =	shalt  }
0x58: {  	_ =	shalt  }
0x59: {  	_ =	shalt  }
0x5a: {  	_ =	shalt  }
0x5b: {  	_ =	shalt  }
0x5c: {  	_ =	shalt  }
0x5d: {  	_ =	shalt  }
0x5e: {  	_ =	shalt  }
0x5f: {  	_ =	shalt  }
0x60: {  	_ =	shalt  }
0x61: {  	_ =	shalt  }
0x62: {  	_ =	shalt  }
0x63: {  	_ =	shalt  }
0x64: {  	_ =	shalt  }
0x65: {  	_ =	shalt  }
0x66: {  	_ =	shalt  }
0x67: {  	_ =	shalt  }
0x68: {  	_ =	shalt  }
0x69: {  	_ =	shalt  }
0x6a: {  	_ =	shalt  }
0x6b: {  	_ =	shalt  }
0x6c: {  	_ =	shalt  }
0x6d: {  	_ =	shalt  }
0x6e: {  	_ =	shalt  }
0x6f: {  	_ =	shalt  }
0x70: {  	_ =	shalt  }
0x71: {  	_ =	shalt  }
0x72: {  	_ =	shalt  }
0x73: {  	_ =	shalt  }
0x74: {  	_ =	shalt  }
0x75: {  	_ =	shalt  }
0x76: {  	_ =	shalt  }
0x77: {  	_ =	shalt  }
0x78: {  	_ =	shalt  }
0x79: {  	_ =	shalt  }
0x7a: {  	_ =	shalt  }
0x7b: {  	_ =	shalt  }
0x7c: {  	_ =	shalt  }
0x7d: {  	_ =	shalt  }
0x7e: {  	_ =	shalt  }
0x7f: {  	_ =	shalt  }
0x80: {  	_ =	shalt  }
0x81: {  	_ =	shalt  }
0x82: {  	_ =	shalt  }
0x83: {  	_ =	shalt  }
0x84: {  	_ =	shalt  }
0x85: {  	_ =	shalt  }
0x86: {  	_ =	shalt  }
0x87: {  	_ =	shalt  }
.Lfunc_end0:
.L_simem_size_0:
called_computation_lowered:
.L_overlay_start_0:
0x88: {  	s2 =	sld [smem:$0x3FD9]  }
0x89: {  	s3 =	sld [smem:$0x3FFE];
	_ =	sdelay $0x1  }
0x8a: {  	s1 =	srdreg.scid  }
0x8b: {  	s0 =	sand.u32 $0x1, s1  }
0x8c: {  	s16 =	sshll.u32 s0, $0xA;
	s2 =	sadd.s32 s3, s2  }
0x8d: {  	s2 =	sadd.s32 s2, s16  }
0x8e: {  	[smem:$0x3FB8] =	sst s2  }
0x8f: {  	_ = 	snop  }
0x90: {  	(tm) =	ssettm $0x1  }
0x91: {  	s17 =	sld [smem:$0x3FFB];
	_ =	sdelay $0x3  }
0x92: {  	_ =	strace s17  }
0x93: {  	s2 =	sld [smem:$0x3FFC];
	_ =	sdelay $0x3  }
0x94: {  	_ =	strace s2  }
0x95: {  	s2 =	sld [smem:$0x3FFD];
	_ =	sdelay $0x3  }
0x96: {  	_ =	strace s2  }
0x97: {  	_ =	strace $0x8FFFFFFF  }
0x98: {  	s18 =	sld [smem:$0x3FDB];
	_ =	sdelay $0x1  }
0x99: {  	s19 =	simm.s32 $_scs_section_size  }
0x9a: {  	s4 =	simm.s32 $_size__tile_overlayer_lowered;
	s5 =	simm.s32 $_tile_overlayer_lowered  }
0x9b: {  	s22 =	simm.s32 $0x1BFF;
	s21 =	sshll.u32 s5, $0x1;
	s2 =	sadd.s32 s19, s18  }
0x9c: {  	s6 =	simm.s32 $0x0;
	s20 =	sshll.u32 s4, $0x1;
	s4 =	sadd.s32 s21, s2  }
0x9d: {  	[timem:s6], [sflag:s22] =	dma.local [hbm:s4], s20  }
0x9e: {  	_ =	swait.ge [sflag:s22], s20  }
0x9f: {  	s3 =	ssub.s32 $0x0, s20;
	[sflag:s22] =	ssyncset.done $0x0  }
0xa0: {  	[sflag:s22] =	ssyncadd.s32 s3;
	_ =	sdelay $0x1  }
0xa1: {  	s23 =	simm.s32 $0x1B8B  }
0xa2: {  	_ =	swait.ge [sflag:s23], $0x1  }
0xa3: {  	[sflag:s23] =	ssyncset.done $0x0  }
0xa4: {  	s25 =	simm.s32 $0x1B8E;
	s24 =	sld [smem:$0x3FFE];
	[sflag:s23] =	ssyncadd.s32 $0xFFFFFFFF  }
0xa5: {  	s26 =	simm.s32 $execute0_lowered;
	[smem:$0x3FD2] =	sst s25  }
0xa6: {  	s4 =	sshll.u32 s26, $0x1;
	_ =	strace $0x80000046;
	[dreg:$0x1] =	wrdreg $0xFFFFFFFF  }
0xa7: {  	s28 =	simm.s32 $_size_execute0_lowered;
	s2 =	sadd.s32 s2, s4;
	[dreg:$0x0] =	wrdreg $0x0  }
0xa8: {  	s4 =	sshll.u32 s28, $0x1;
	[dreg:$0x2] =	wrdreg s2  }
0xa9: {  	[dreg:$0x3] =	wrdreg s4  }
0xaa: {  	[dreg:$0x4] =	wrdreg $0xC0  }
0xab: {  	_ =	task [dreg:s6], $0x5FFFF  }
0xac: {  	[dreg:$0x1] =	wrdreg $0xFFFFFFFF  }
0xad: {  	[dreg:$0x0] =	wrdreg $0x60  }
0xae: {  	[dreg:$0x2] =	wrdreg s24  }
0xaf: {  	[dreg:$0x3] =	wrdreg $0x9  }
0xb0: {  	_ =	task.clear_ibuf [dreg:s6], $0x4FFFF;
	_ =	strace $0x90000046  }
0xb1: {  	s29 =	simm.s32 $0x9;
	_ =	strace $0x80000048  }
0xb2: {  	_ =	swait.ge [sflag:s29], $0x1  }
0xb3: {  	[sflag:s29] =	ssyncadd.s32 $0xFFFFFFFF  }
0xb4: {  	_ =	strace $0x90000048  }
0xb5: {  	_ =	sfence  }
0xb6: {  	s30 =	sld [smem:$0x0];
	_ =	sdelay $0x2  }
0xb7: {  	s31 =	sshll.u32 s1, $0xD;
	s1 =	sshrl.u32 s1, $0x2  }
0xb8: {  	s3 =	sand.u32 $0x4000, s31;
	s1 =	sadd.s32 s1, s30  }
0xb9: {  	s0 =	sor.u32 s3, s0;
	s1 =	sshll.u32 s1, $0x11  }
0xba: {  	s0 =	sor.u32 s1, s0  }
0xbb: {  	s0 =	sadd.s32 $0x8F2B, s0  }
0xbc: {  	[sflag:s0] =	ssyncadd.remote.s32 $0x1  }
0xbd: {  	_ =	sfence.sel $0xFFFF  }
0xbe: {  	[dreg:$0x0] =	wrdreg $0xFFFFFFFF;
	(pc) =	sbr.abs _section_cstart, $3  }
0xbf: {  	[dreg:$0x1] =	wrdreg $0xFFFFFFFF  }
0xc0: {  	_ =	task.clear_ibuf [dreg:s6], $0x2FFFF;
	_ =	strace $0x9FFFFFFF  }
0xc1: {  	(tm) =	ssettm $0x7FFFFFFF  }
tec
execute0_lowered:
.L_overlay_start_1:
0x0: {  	(tag) =	ssettag $0x1  }
0x1: {  	s1 =	srdreg.scid;
	s0 =	stileid.u32  }
0x2: {  	s1 =	sand.u32 $0x1, s1;
	s2 =	sshll.u32 s0, $0x1  }
0x3: {  	s30 =	sor.u32 s1, s2  }
0x4: {  	s29 =	rddreg [dreg:$0x0];
	s3 =	sshll.u32 s30, $0xB  }
0x5: {  	s2 =	simm.s32 $0x0;
	s4 =	sshll.u32 s30, $0x10;
	s3 =	sadd.s32 s3, s29  }
0x6: {  	[smem:$0x7FF] =	sst s2;
	s25 =	sadd.s32 s4, s29;
	s3 =	sadd.s32 $0x3400, s3  }
0x7: {  	_ =	strace $0x80000047;
	s12 =	sadd.s32 $0x1EC000, s25;
	[dreg:$0x2] =	wrdreg s3  }
0x8: {  	s13 =	sadd.s32 $0x1ED000, s25;
	[dreg:$0x3] =	wrdreg s12  }
0x9: {  	s14 =	sadd.s32 $0x1EE000, s25;
	[dreg:$0x4] =	wrdreg s13  }
0xa: {  	s15 =	sadd.s32 $0x1EF000, s25;
	[dreg:$0x5] =	wrdreg s14  }
0xb: {  	s16 =	sadd.s32 $0x1F0000, s25;
	[dreg:$0x6] =	wrdreg s15  }
0xc: {  	s17 =	sadd.s32 $0x1F1000, s25;
	[dreg:$0x7] =	wrdreg s16  }
0xd: {  	s18 =	sadd.s32 $0x1F2000, s25;
	[dreg:$0x8] =	wrdreg s17  }
0xe: {  	s19 =	sadd.s32 $0x1F3000, s25;
	[dreg:$0x9] =	wrdreg s18  }
0xf: {  	s20 =	sadd.s32 $0x1F4000, s25;
	[dreg:$0xa] =	wrdreg s19  }
0x10: {  	s21 =	sadd.s32 $0x1F5000, s25;
	[dreg:$0xb] =	wrdreg s20  }
0x11: {  	s22 =	sadd.s32 $0x1F6000, s25;
	[dreg:$0xc] =	wrdreg s21  }
0x12: {  	s23 =	sadd.s32 $0x1F7000, s25;
	[dreg:$0xd] =	wrdreg s22  }
0x13: {  	s24 =	sadd.s32 $0x1F8000, s25;
	[dreg:$0xe] =	wrdreg s23  }
0x14: {  	s0 =	sadd.s32 $0x1F9000, s25;
	[dreg:$0xf] =	wrdreg s24  }
0x15: {  	[dreg:$0x10] =	wrdreg s0  }
0x16: {  	s3 =	simm.s32 $0x3;
	s26 =	rddreg [dreg:$0x2]  }
0x17: {  	[tilespmem:s2], [sflag:$0x3] =	stream.linear.gather [hbm4b:s26+s2], $0x4000, $0x38;
	[tilespmem:$0x14000] =	vst v63  }
0x18: {  	_ =	swait.ge [sflag:s3], $0x4000  }
0x19: {  	s5 =	simm.s32 $0x400;
	[sflag:s3] =	ssyncset.done $0x0  }
0x1a: {  	s6 =	simm.s32 $0x4000;
	s4 =	sadd.s32 $0xF45E00, s29;
	[sflag:s3] =	ssyncadd.s32 $0xFFFFC000  }
0x1b: {  	[tilespmem:s6], [sflag:$0x1] =	stream.indirect.gather [hbm4b:s4+s5], $0x20, s2, s5, $0xb8;
	[tilespmem:$0x14000] =	vst v63  }
0x1c: {  	s7 =	simm.s32 $0xC000;
	s8 =	simm.s32 $0x1  }
0x1d: {  	[tilespmem:s7], [sflag:$0x2] =	stream.indirect.gather [hbm4b:s4+s5], $0x20, s5, s5, $0xb8;
	[tilespmem:$0x14000] =	vst v63  }
0x1e: {  	_ =	swait.ge [sflag:s8], $0x8000  }
0x1f: {  	[sflag:s8] =	ssyncset.done $0x0  }
0x20: {  	s9 =	rddreg [dreg:$0x3];
	[sflag:s8] =	ssyncadd.s32 $0xFFFF8000  }
0x21: {  	[hbm4b:s9+s2] =	stream.linear.scatter [tilespmem:s6], [sflag:$0x3], $0x8000, $0x38;
	[tilespmem:$0x14000] =	vst v63  }
0x22: {  	_ =	swait.ge [sflag:s3], $0x8000  }
0x23: {  	[sflag:s3] =	ssyncset.done $0x0  }
0x24: {  	s10 =	simm.s32 $0x2;
	s9 =	simm.s32 $0x800;
	[sflag:s3] =	ssyncadd.s32 $0xFFFF8000  }
0x25: {  	[tilespmem:s6], [sflag:$0x1] =	stream.indirect.gather [hbm4b:s4+s5], $0x20, s9, s5, $0xb8;
	[tilespmem:$0x14000] =	vst v63  }
0x26: {  	_ =	swait.ge [sflag:s10], $0x8000  }
0x27: {  	[sflag:s10] =	ssyncset.done $0x0  }
0x28: {  	s11 =	rddreg [dreg:$0x4];
	[sflag:s10] =	ssyncadd.s32 $0xFFFF8000  }
0x29: {  	[hbm4b:s11+s2] =	stream.linear.scatter [tilespmem:s7], [sflag:$0x3], $0x8000, $0x38;
	[tilespmem:$0x14000] =	vst v63  }
0x2a: {  	_ =	swait.ge [sflag:s3], $0x8000  }
0x2b: {  	[sflag:s3] =	ssyncset.done $0x0  }
0x2c: {  	s11 =	simm.s32 $0xC00;
	[sflag:s3] =	ssyncadd.s32 $0xFFFF8000  }
0x2d: {  	[tilespmem:s7], [sflag:$0x2] =	stream.indirect.gather [hbm4b:s4+s5], $0x20, s11, s5, $0xb8;
	[tilespmem:$0x14000] =	vst v63  }
0x2e: {  	_ =	swait.ge [sflag:s8], $0x8000  }
0x2f: {  	[sflag:s8] =	ssyncset.done $0x0  }
0x30: {  	s12 =	rddreg [dreg:$0x5];
	[sflag:s8] =	ssyncadd.s32 $0xFFFF8000  }
0x31: {  	[hbm4b:s12+s2] =	stream.linear.scatter [tilespmem:s6], [sflag:$0x3], $0x8000, $0x38;
	[tilespmem:$0x14000] =	vst v63  }
0x32: {  	_ =	swait.ge [sflag:s3], $0x8000  }
0x33: {  	[sflag:s3] =	ssyncset.done $0x0  }
0x34: {  	s12 =	simm.s32 $0x1000;
	[sflag:s3] =	ssyncadd.s32 $0xFFFF8000  }
0x35: {  	[tilespmem:s6], [sflag:$0x1] =	stream.indirect.gather [hbm4b:s4+s5], $0x20, s12, s5, $0xb8;
	[tilespmem:$0x14000] =	vst v63  }
0x36: {  	_ =	swait.ge [sflag:s10], $0x8000  }
0x37: {  	[sflag:s10] =	ssyncset.done $0x0  }
0x38: {  	s13 =	rddreg [dreg:$0x6];
	[sflag:s10] =	ssyncadd.s32 $0xFFFF8000  }
0x39: {  	[hbm4b:s13+s2] =	stream.linear.scatter [tilespmem:s7], [sflag:$0x3], $0x8000, $0x38;
	[tilespmem:$0x14000] =	vst v63  }
0x3a: {  	_ =	swait.ge [sflag:s3], $0x8000  }
0x3b: {  	[sflag:s3] =	ssyncset.done $0x0  }
0x3c: {  	s13 =	simm.s32 $0x1400;
	[sflag:s3] =	ssyncadd.s32 $0xFFFF8000  }
0x3d: {  	[tilespmem:s7], [sflag:$0x2] =	stream.indirect.gather [hbm4b:s4+s5], $0x20, s13, s5, $0xb8;
	[tilespmem:$0x14000] =	vst v63  }
0x3e: {  	_ =	swait.ge [sflag:s8], $0x8000  }
0x3f: {  	[sflag:s8] =	ssyncset.done $0x0  }
0x40: {  	s14 =	rddreg [dreg:$0x7];
	[sflag:s8] =	ssyncadd.s32 $0xFFFF8000  }
0x41: {  	[hbm4b:s14+s2] =	stream.linear.scatter [tilespmem:s6], [sflag:$0x3], $0x8000, $0x38;
	[tilespmem:$0x14000] =	vst v63  }
0x42: {  	_ =	swait.ge [sflag:s3], $0x8000  }
0x43: {  	[sflag:s3] =	ssyncset.done $0x0  }
0x44: {  	s14 =	simm.s32 $0x1800;
	[sflag:s3] =	ssyncadd.s32 $0xFFFF8000  }
0x45: {  	[tilespmem:s6], [sflag:$0x1] =	stream.indirect.gather [hbm4b:s4+s5], $0x20, s14, s5, $0xb8;
	[tilespmem:$0x14000] =	vst v63  }
0x46: {  	_ =	swait.ge [sflag:s10], $0x8000  }
0x47: {  	[sflag:s10] =	ssyncset.done $0x0  }
0x48: {  	s15 =	rddreg [dreg:$0x8];
	[sflag:s10] =	ssyncadd.s32 $0xFFFF8000  }
0x49: {  	[hbm4b:s15+s2] =	stream.linear.scatter [tilespmem:s7], [sflag:$0x3], $0x8000, $0x38;
	[tilespmem:$0x14000] =	vst v63  }
0x4a: {  	_ =	swait.ge [sflag:s3], $0x8000  }
0x4b: {  	[sflag:s3] =	ssyncset.done $0x0  }
0x4c: {  	s15 =	simm.s32 $0x1C00;
	[sflag:s3] =	ssyncadd.s32 $0xFFFF8000  }
0x4d: {  	[tilespmem:s7], [sflag:$0x2] =	stream.indirect.gather [hbm4b:s4+s5], $0x20, s15, s5, $0xb8;
	[tilespmem:$0x14000] =	vst v63  }
0x4e: {  	_ =	swait.ge [sflag:s8], $0x8000  }
0x4f: {  	[sflag:s8] =	ssyncset.done $0x0  }
0x50: {  	s16 =	rddreg [dreg:$0x9];
	[sflag:s8] =	ssyncadd.s32 $0xFFFF8000  }
0x51: {  	[hbm4b:s16+s2] =	stream.linear.scatter [tilespmem:s6], [sflag:$0x3], $0x8000, $0x38;
	[tilespmem:$0x14000] =	vst v63  }
0x52: {  	_ =	swait.ge [sflag:s3], $0x8000  }
0x53: {  	[sflag:s3] =	ssyncset.done $0x0  }
0x54: {  	s16 =	simm.s32 $0x2000;
	[sflag:s3] =	ssyncadd.s32 $0xFFFF8000  }
0x55: {  	[tilespmem:s6], [sflag:$0x1] =	stream.indirect.gather [hbm4b:s4+s5], $0x20, s16, s5, $0xb8;
	[tilespmem:$0x14000] =	vst v63  }
0x56: {  	_ =	swait.ge [sflag:s10], $0x8000  }
0x57: {  	[sflag:s10] =	ssyncset.done $0x0  }
0x58: {  	s17 =	rddreg [dreg:$0xa];
	[sflag:s10] =	ssyncadd.s32 $0xFFFF8000  }
0x59: {  	[hbm4b:s17+s2] =	stream.linear.scatter [tilespmem:s7], [sflag:$0x3], $0x8000, $0x38;
	[tilespmem:$0x14000] =	vst v63  }
0x5a: {  	_ =	swait.ge [sflag:s3], $0x8000  }
0x5b: {  	[sflag:s3] =	ssyncset.done $0x0  }
0x5c: {  	s17 =	simm.s32 $0x2400;
	[sflag:s3] =	ssyncadd.s32 $0xFFFF8000  }
0x5d: {  	[tilespmem:s7], [sflag:$0x2] =	stream.indirect.gather [hbm4b:s4+s5], $0x20, s17, s5, $0xb8;
	[tilespmem:$0x14000] =	vst v63  }
0x5e: {  	_ =	swait.ge [sflag:s8], $0x8000  }
0x5f: {  	[sflag:s8] =	ssyncset.done $0x0  }
0x60: {  	s18 =	rddreg [dreg:$0xb];
	[sflag:s8] =	ssyncadd.s32 $0xFFFF8000  }
0x61: {  	[hbm4b:s18+s2] =	stream.linear.scatter [tilespmem:s6], [sflag:$0x3], $0x8000, $0x38;
	[tilespmem:$0x14000] =	vst v63  }
0x62: {  	_ =	swait.ge [sflag:s3], $0x8000  }
0x63: {  	[sflag:s3] =	ssyncset.done $0x0  }
0x64: {  	s18 =	simm.s32 $0x2800;
	[sflag:s3] =	ssyncadd.s32 $0xFFFF8000  }
0x65: {  	[tilespmem:s6], [sflag:$0x1] =	stream.indirect.gather [hbm4b:s4+s5], $0x20, s18, s5, $0xb8;
	[tilespmem:$0x14000] =	vst v63  }
0x66: {  	_ =	swait.ge [sflag:s10], $0x8000  }
0x67: {  	[sflag:s10] =	ssyncset.done $0x0  }
0x68: {  	s19 =	rddreg [dreg:$0xc];
	[sflag:s10] =	ssyncadd.s32 $0xFFFF8000  }
0x69: {  	[hbm4b:s19+s2] =	stream.linear.scatter [tilespmem:s7], [sflag:$0x3], $0x8000, $0x38;
	[tilespmem:$0x14000] =	vst v63  }
0x6a: {  	_ =	swait.ge [sflag:s3], $0x8000  }
0x6b: {  	[sflag:s3] =	ssyncset.done $0x0  }
0x6c: {  	s19 =	simm.s32 $0x2C00;
	[sflag:s3] =	ssyncadd.s32 $0xFFFF8000  }
0x6d: {  	[tilespmem:s7], [sflag:$0x2] =	stream.indirect.gather [hbm4b:s4+s5], $0x20, s19, s5, $0xb8;
	[tilespmem:$0x14000] =	vst v63  }
0x6e: {  	_ =	swait.ge [sflag:s8], $0x8000  }
0x6f: {  	[sflag:s8] =	ssyncset.done $0x0  }
0x70: {  	s20 =	rddreg [dreg:$0xd];
	[sflag:s8] =	ssyncadd.s32 $0xFFFF8000  }
0x71: {  	[hbm4b:s20+s2] =	stream.linear.scatter [tilespmem:s6], [sflag:$0x3], $0x8000, $0x38;
	[tilespmem:$0x14000] =	vst v63  }
0x72: {  	_ =	swait.ge [sflag:s3], $0x8000  }
0x73: {  	[sflag:s3] =	ssyncset.done $0x0  }
0x74: {  	s20 =	simm.s32 $0x3000;
	[sflag:s3] =	ssyncadd.s32 $0xFFFF8000  }
0x75: {  	[tilespmem:s6], [sflag:$0x1] =	stream.indirect.gather [hbm4b:s4+s5], $0x20, s20, s5, $0xb8;
	[tilespmem:$0x14000] =	vst v63  }
0x76: {  	_ =	swait.ge [sflag:s10], $0x8000  }
0x77: {  	[sflag:s10] =	ssyncset.done $0x0  }
0x78: {  	s21 =	rddreg [dreg:$0xe];
	[sflag:s10] =	ssyncadd.s32 $0xFFFF8000  }
0x79: {  	[hbm4b:s21+s2] =	stream.linear.scatter [tilespmem:s7], [sflag:$0x3], $0x8000, $0x38;
	[tilespmem:$0x14000] =	vst v63  }
0x7a: {  	_ =	swait.ge [sflag:s3], $0x8000  }
0x7b: {  	[sflag:s3] =	ssyncset.done $0x0  }
0x7c: {  	s21 =	simm.s32 $0x3400;
	[sflag:s3] =	ssyncadd.s32 $0xFFFF8000  }
0x7d: {  	[tilespmem:s7], [sflag:$0x2] =	stream.indirect.gather [hbm4b:s4+s5], $0x20, s21, s5, $0xb8;
	[tilespmem:$0x14000] =	vst v63  }
0x7e: {  	_ =	swait.ge [sflag:s8], $0x8000  }
0x7f: {  	[sflag:s8] =	ssyncset.done $0x0  }
0x80: {  	s22 =	rddreg [dreg:$0xf];
	[sflag:s8] =	ssyncadd.s32 $0xFFFF8000  }
0x81: {  	[hbm4b:s22+s2] =	stream.linear.scatter [tilespmem:s6], [sflag:$0x3], $0x8000, $0x38;
	[tilespmem:$0x14000] =	vst v63  }
0x82: {  	_ =	swait.ge [sflag:s3], $0x8000  }
0x83: {  	[sflag:s3] =	ssyncset.done $0x0  }
0x84: {  	s22 =	simm.s32 $0x3800;
	[sflag:s3] =	ssyncadd.s32 $0xFFFF8000  }
0x85: {  	[tilespmem:s6], [sflag:$0x1] =	stream.indirect.gather [hbm4b:s4+s5], $0x20, s22, s5, $0xb8;
	[tilespmem:$0x14000] =	vst v63  }
0x86: {  	_ =	swait.ge [sflag:s10], $0x8000  }
0x87: {  	[sflag:s10] =	ssyncset.done $0x0  }
0x88: {  	s23 =	rddreg [dreg:$0x10];
	[sflag:s10] =	ssyncadd.s32 $0xFFFF8000  }
0x89: {  	[hbm4b:s23+s2] =	stream.linear.scatter [tilespmem:s7], [sflag:$0x3], $0x8000, $0x38;
	[tilespmem:$0x14000] =	vst v63  }
0x8a: {  	_ =	swait.ge [sflag:s3], $0x8000  }
0x8b: {  	[sflag:s3] =	ssyncset.done $0x0  }
0x8c: {  	s23 =	simm.s32 $0x3C00;
	[sflag:s3] =	ssyncadd.s32 $0xFFFF8000  }
0x8d: {  	[tilespmem:s7], [sflag:$0x2] =	stream.indirect.gather [hbm4b:s4+s5], $0x20, s23, s5, $0xb8;
	[tilespmem:$0x14000] =	vst v63  }
0x8e: {  	_ =	swait.ge [sflag:s8], $0x8000  }
0x8f: {  	[sflag:s8] =	ssyncset.done $0x0  }
0x90: {  	s24 =	sadd.s32 $0x1FA000, s25;
	[sflag:s8] =	ssyncadd.s32 $0xFFFF8000  }
0x91: {  	[hbm4b:s24+s2] =	stream.linear.scatter [tilespmem:s6], [sflag:$0x3], $0x8000, $0x38;
	[tilespmem:$0x14000] =	vst v63  }
0x92: {  	_ =	swait.ge [sflag:s3], $0x8000  }
0x93: {  	[sflag:s3] =	ssyncset.done $0x0  }
0x94: {  	[sflag:s3] =	ssyncadd.s32 $0xFFFF8000  }
0x95: {  	_ =	swait.ge [sflag:s10], $0x8000  }
0x96: {  	[sflag:s10] =	ssyncset.done $0x0  }
0x97: {  	s25 =	sadd.s32 $0x1FB000, s25;
	s26 =	smul.u32 $0x180, s30;
	[sflag:s10] =	ssyncadd.s32 $0xFFFF8000  }
0x98: {  	[hbm4b:s25+s2] =	stream.linear.scatter [tilespmem:s7], [sflag:$0x3], $0x8000, $0x38;
	[tilespmem:$0x14000] =	vst v63  }
0x99: {  	_ =	swait.ge [sflag:s3], $0x8000  }
0x9a: {  	s26 =	sadd.s32 s26, s29;
	[sflag:s3] =	ssyncset.done $0x0  }
0x9b: {  	s26 =	sadd.s32 $0x13400, s26;
	[sflag:s3] =	ssyncadd.s32 $0xFFFF8000  }
0x9c: {  	[tilespmem:s2], [sflag:$0x3] =	stream.linear.gather [hbm4b:s26+s2], $0xC00, $0x38;
	[tilespmem:$0x14000] =	vst v63  }
0x9d: {  	_ =	swait.ge [sflag:s3], $0xC00  }
0x9e: {  	[sflag:s3] =	ssyncset.done $0x0  }
0x9f: {  	s28 =	sadd.s32 $0x18A400, s29;
	[sflag:s3] =	ssyncadd.s32 $0xFFFFF400  }
0xa0: {  	[tilespmem:s6], [sflag:$0x1] =	stream.indirect.gather [hbm4b:s28+s5], $0x20, s2, s5, $0xb8;
	[tilespmem:$0x14000] =	vst v63  }
0xa1: {  	_ = 	snop  }
0xa2: {  	[tilespmem:s7], [sflag:$0x2] =	stream.indirect.gather [hbm4b:s28+s5], $0x20, s5, s5, $0xb8;
	[tilespmem:$0x14000] =	vst v63  }
0xa3: {  	s31 =	smul.u32 $0x3000, s30;
	_ =	swait.ge [sflag:s8], $0x8000  }
0xa4: {  	s0 =	sadd.s32 $0x16400, s29;
	[sflag:s8] =	ssyncset.done $0x0  }
0xa5: {  	s29 =	sadd.s32 s0, s31;
	[sflag:s8] =	ssyncadd.s32 $0xFFFF8000  }
0xa6: {  	[hbm4b:s29+s2] =	stream.linear.scatter [tilespmem:s6], [sflag:$0x3], $0x8000, $0x38;
	[tilespmem:$0x14000] =	vst v63  }
0xa7: {  	_ =	swait.ge [sflag:s3], $0x8000  }
0xa8: {  	[sflag:s3] =	ssyncset.done $0x0  }
0xa9: {  	s30 =	smul.u32 $0x18000, s30;
	[sflag:s3] =	ssyncadd.s32 $0xFFFF8000  }
0xaa: {  	[tilespmem:s6], [sflag:$0x1] =	stream.indirect.gather [hbm4b:s28+s5], $0x20, s9, s5, $0xb8;
	[tilespmem:$0x14000] =	vst v63  }
0xab: {  	s30 =	sshrl.u32 s30, $0x3;
	_ =	swait.ge [sflag:s10], $0x8000  }
0xac: {  	s1 =	ssub.s32 $0x2, s1;
	s0 =	sadd.s32 s0, s30;
	[sflag:s10] =	ssyncset.done $0x0  }
0xad: {  	s31 =	sshrl.u32 s1, $0x1;
	s30 =	sadd.s32 $0x1000, s0;
	[sflag:s10] =	ssyncadd.s32 $0xFFFF8000  }
0xae: {  	[hbm4b:s30+s2] =	stream.linear.scatter [tilespmem:s7], [sflag:$0x3], $0x8000, $0x38;
	[tilespmem:$0x14000] =	vst v63  }
0xaf: {  	s1 =	ssub.s32 s1, s31;
	_ =	swait.ge [sflag:s3], $0x8000  }
0xb0: {  	s1 =	smax.u32 s1, $0x1;
	[sflag:s3] =	ssyncset.done $0x0  }
0xb1: {  	p0 =	sne.s32 s1, $0x1;
	[sflag:s3] =	ssyncadd.s32 $0xFFFF8000  }
.Ltmp0:
0xb2: {  	_ =	swait.ge [sflag:s8], $0x8000;
	(pc) =	sbr.rel @!p0 .LBB2_2-.Ltmp0, $4  }
0xb3: {  	[sflag:s8] =	ssyncset.done $0x0  }
0xb4: {  	s31 =	sadd.s32 $0x2000, s0;
	[sflag:s8] =	ssyncadd.s32 $0xFFFF8000  }
0xb5: {  	[hbm4b:s31+s2] =	stream.linear.scatter [tilespmem:s6], [sflag:$0x3], $0x8000, $0x38;
	[tilespmem:$0x14000] =	vst v63  }
0xb6: {  	s1 =	sadd.s32 $0xFFFFFFFF, s1;
	_ =	swait.ge [sflag:s3], $0x8000  }
.LBB2_1:
0xb7: {  	[sflag:s3] =	ssyncset.done $0x0  }
0xb8: {  	s0 =	rddreg [dreg:$0x2];
	[sflag:s3] =	ssyncadd.s32 $0xFFFF8000  }
0xb9: {  	[tilespmem:s2], [sflag:$0x3] =	stream.linear.gather [hbm4b:s0+s2], $0x4000, $0x38;
	[tilespmem:$0x14000] =	vst v63  }
0xba: {  	_ =	swait.ge [sflag:s3], $0x4000  }
0xbb: {  	[sflag:s3] =	ssyncset.done $0x0  }
0xbc: {  	[sflag:s3] =	ssyncadd.s32 $0xFFFFC000  }
0xbd: {  	[tilespmem:s6], [sflag:$0x1] =	stream.indirect.gather [hbm4b:s4+s5], $0x20, s2, s5, $0xb8;
	[tilespmem:$0x14000] =	vst v63  }
0xbe: {  	_ = 	snop  }
0xbf: {  	[tilespmem:s7], [sflag:$0x2] =	stream.indirect.gather [hbm4b:s4+s5], $0x20, s5, s5, $0xb8;
	[tilespmem:$0x14000] =	vst v63  }
0xc0: {  	_ =	swait.ge [sflag:s8], $0x8000  }
0xc1: {  	[sflag:s8] =	ssyncset.done $0x0  }
0xc2: {  	s0 =	rddreg [dreg:$0x3];
	[sflag:s8] =	ssyncadd.s32 $0xFFFF8000  }
0xc3: {  	[hbm4b:s0+s2] =	stream.linear.scatter [tilespmem:s6], [sflag:$0x3], $0x8000, $0x38;
	[tilespmem:$0x14000] =	vst v63  }
0xc4: {  	_ =	swait.ge [sflag:s3], $0x8000  }
0xc5: {  	[sflag:s3] =	ssyncset.done $0x0  }
0xc6: {  	[sflag:s3] =	ssyncadd.s32 $0xFFFF8000  }
0xc7: {  	[tilespmem:s6], [sflag:$0x1] =	stream.indirect.gather [hbm4b:s4+s5], $0x20, s9, s5, $0xb8;
	[tilespmem:$0x14000] =	vst v63  }
0xc8: {  	_ =	swait.ge [sflag:s10], $0x8000  }
0xc9: {  	[sflag:s10] =	ssyncset.done $0x0  }
0xca: {  	s0 =	rddreg [dreg:$0x4];
	[sflag:s10] =	ssyncadd.s32 $0xFFFF8000  }
0xcb: {  	[hbm4b:s0+s2] =	stream.linear.scatter [tilespmem:s7], [sflag:$0x3], $0x8000, $0x38;
	[tilespmem:$0x14000] =	vst v63  }
0xcc: {  	_ =	swait.ge [sflag:s3], $0x8000  }
0xcd: {  	[sflag:s3] =	ssyncset.done $0x0  }
0xce: {  	[sflag:s3] =	ssyncadd.s32 $0xFFFF8000  }
0xcf: {  	[tilespmem:s7], [sflag:$0x2] =	stream.indirect.gather [hbm4b:s4+s5], $0x20, s11, s5, $0xb8;
	[tilespmem:$0x14000] =	vst v63  }
0xd0: {  	_ =	swait.ge [sflag:s8], $0x8000  }
0xd1: {  	[sflag:s8] =	ssyncset.done $0x0  }
0xd2: {  	s0 =	rddreg [dreg:$0x5];
	[sflag:s8] =	ssyncadd.s32 $0xFFFF8000  }
0xd3: {  	[hbm4b:s0+s2] =	stream.linear.scatter [tilespmem:s6], [sflag:$0x3], $0x8000, $0x38;
	[tilespmem:$0x14000] =	vst v63  }
0xd4: {  	_ =	swait.ge [sflag:s3], $0x8000  }
0xd5: {  	[sflag:s3] =	ssyncset.done $0x0  }
0xd6: {  	[sflag:s3] =	ssyncadd.s32 $0xFFFF8000  }
0xd7: {  	[tilespmem:s6], [sflag:$0x1] =	stream.indirect.gather [hbm4b:s4+s5], $0x20, s12, s5, $0xb8;
	[tilespmem:$0x14000] =	vst v63  }
0xd8: {  	_ =	swait.ge [sflag:s10], $0x8000  }
0xd9: {  	[sflag:s10] =	ssyncset.done $0x0  }
0xda: {  	s0 =	rddreg [dreg:$0x6];
	[sflag:s10] =	ssyncadd.s32 $0xFFFF8000  }
0xdb: {  	[hbm4b:s0+s2] =	stream.linear.scatter [tilespmem:s7], [sflag:$0x3], $0x8000, $0x38;
	[tilespmem:$0x14000] =	vst v63  }
0xdc: {  	_ =	swait.ge [sflag:s3], $0x8000  }
0xdd: {  	[sflag:s3] =	ssyncset.done $0x0  }
0xde: {  	[sflag:s3] =	ssyncadd.s32 $0xFFFF8000  }
0xdf: {  	[tilespmem:s7], [sflag:$0x2] =	stream.indirect.gather [hbm4b:s4+s5], $0x20, s13, s5, $0xb8;
	[tilespmem:$0x14000] =	vst v63  }
0xe0: {  	_ =	swait.ge [sflag:s8], $0x8000  }
0xe1: {  	[sflag:s8] =	ssyncset.done $0x0  }
0xe2: {  	s0 =	rddreg [dreg:$0x7];
	[sflag:s8] =	ssyncadd.s32 $0xFFFF8000  }
0xe3: {  	[hbm4b:s0+s2] =	stream.linear.scatter [tilespmem:s6], [sflag:$0x3], $0x8000, $0x38;
	[tilespmem:$0x14000] =	vst v63  }
0xe4: {  	_ =	swait.ge [sflag:s3], $0x8000  }
0xe5: {  	[sflag:s3] =	ssyncset.done $0x0  }
0xe6: {  	[sflag:s3] =	ssyncadd.s32 $0xFFFF8000  }
0xe7: {  	[tilespmem:s6], [sflag:$0x1] =	stream.indirect.gather [hbm4b:s4+s5], $0x20, s14, s5, $0xb8;
	[tilespmem:$0x14000] =	vst v63  }
0xe8: {  	_ =	swait.ge [sflag:s10], $0x8000  }
0xe9: {  	[sflag:s10] =	ssyncset.done $0x0  }
0xea: {  	s0 =	rddreg [dreg:$0x8];
	[sflag:s10] =	ssyncadd.s32 $0xFFFF8000  }
0xeb: {  	[hbm4b:s0+s2] =	stream.linear.scatter [tilespmem:s7], [sflag:$0x3], $0x8000, $0x38;
	[tilespmem:$0x14000] =	vst v63  }
0xec: {  	_ =	swait.ge [sflag:s3], $0x8000  }
0xed: {  	[sflag:s3] =	ssyncset.done $0x0  }
0xee: {  	[sflag:s3] =	ssyncadd.s32 $0xFFFF8000  }
0xef: {  	[tilespmem:s7], [sflag:$0x2] =	stream.indirect.gather [hbm4b:s4+s5], $0x20, s15, s5, $0xb8;
	[tilespmem:$0x14000] =	vst v63  }
0xf0: {  	_ =	swait.ge [sflag:s8], $0x8000  }
0xf1: {  	[sflag:s8] =	ssyncset.done $0x0  }
0xf2: {  	s0 =	rddreg [dreg:$0x9];
	[sflag:s8] =	ssyncadd.s32 $0xFFFF8000  }
0xf3: {  	[hbm4b:s0+s2] =	stream.linear.scatter [tilespmem:s6], [sflag:$0x3], $0x8000, $0x38;
	[tilespmem:$0x14000] =	vst v63  }
0xf4: {  	_ =	swait.ge [sflag:s3], $0x8000  }
0xf5: {  	[sflag:s3] =	ssyncset.done $0x0  }
0xf6: {  	[sflag:s3] =	ssyncadd.s32 $0xFFFF8000  }
0xf7: {  	[tilespmem:s6], [sflag:$0x1] =	stream.indirect.gather [hbm4b:s4+s5], $0x20, s16, s5, $0xb8;
	[tilespmem:$0x14000] =	vst v63  }
0xf8: {  	_ =	swait.ge [sflag:s10], $0x8000  }
0xf9: {  	[sflag:s10] =	ssyncset.done $0x0  }
0xfa: {  	s0 =	rddreg [dreg:$0xa];
	[sflag:s10] =	ssyncadd.s32 $0xFFFF8000  }
0xfb: {  	[hbm4b:s0+s2] =	stream.linear.scatter [tilespmem:s7], [sflag:$0x3], $0x8000, $0x38;
	[tilespmem:$0x14000] =	vst v63  }
0xfc: {  	_ =	swait.ge [sflag:s3], $0x8000  }
0xfd: {  	[sflag:s3] =	ssyncset.done $0x0  }
0xfe: {  	[sflag:s3] =	ssyncadd.s32 $0xFFFF8000  }
0xff: {  	[tilespmem:s7], [sflag:$0x2] =	stream.indirect.gather [hbm4b:s4+s5], $0x20, s17, s5, $0xb8;
	[tilespmem:$0x14000] =	vst v63  }
0x100: {  	_ =	swait.ge [sflag:s8], $0x8000  }
0x101: {  	[sflag:s8] =	ssyncset.done $0x0  }
0x102: {  	s0 =	rddreg [dreg:$0xb];
	[sflag:s8] =	ssyncadd.s32 $0xFFFF8000  }
0x103: {  	[hbm4b:s0+s2] =	stream.linear.scatter [tilespmem:s6], [sflag:$0x3], $0x8000, $0x38;
	[tilespmem:$0x14000] =	vst v63  }
0x104: {  	_ =	swait.ge [sflag:s3], $0x8000  }
0x105: {  	[sflag:s3] =	ssyncset.done $0x0  }
0x106: {  	[sflag:s3] =	ssyncadd.s32 $0xFFFF8000  }
0x107: {  	[tilespmem:s6], [sflag:$0x1] =	stream.indirect.gather [hbm4b:s4+s5], $0x20, s18, s5, $0xb8;
	[tilespmem:$0x14000] =	vst v63  }
0x108: {  	_ =	swait.ge [sflag:s10], $0x8000  }
0x109: {  	[sflag:s10] =	ssyncset.done $0x0  }
0x10a: {  	s0 =	rddreg [dreg:$0xc];
	[sflag:s10] =	ssyncadd.s32 $0xFFFF8000  }
0x10b: {  	[hbm4b:s0+s2] =	stream.linear.scatter [tilespmem:s7], [sflag:$0x3], $0x8000, $0x38;
	[tilespmem:$0x14000] =	vst v63  }
0x10c: {  	_ =	swait.ge [sflag:s3], $0x8000  }
0x10d: {  	[sflag:s3] =	ssyncset.done $0x0  }
0x10e: {  	[sflag:s3] =	ssyncadd.s32 $0xFFFF8000  }
0x10f: {  	[tilespmem:s7], [sflag:$0x2] =	stream.indirect.gather [hbm4b:s4+s5], $0x20, s19, s5, $0xb8;
	[tilespmem:$0x14000] =	vst v63  }
0x110: {  	_ =	swait.ge [sflag:s8], $0x8000  }
0x111: {  	[sflag:s8] =	ssyncset.done $0x0  }
0x112: {  	s0 =	rddreg [dreg:$0xd];
	[sflag:s8] =	ssyncadd.s32 $0xFFFF8000  }
0x113: {  	[hbm4b:s0+s2] =	stream.linear.scatter [tilespmem:s6], [sflag:$0x3], $0x8000, $0x38;
	[tilespmem:$0x14000] =	vst v63  }
0x114: {  	_ =	swait.ge [sflag:s3], $0x8000  }
0x115: {  	[sflag:s3] =	ssyncset.done $0x0  }
0x116: {  	[sflag:s3] =	ssyncadd.s32 $0xFFFF8000  }
0x117: {  	[tilespmem:s6], [sflag:$0x1] =	stream.indirect.gather [hbm4b:s4+s5], $0x20, s20, s5, $0xb8;
	[tilespmem:$0x14000] =	vst v63  }
0x118: {  	_ =	swait.ge [sflag:s10], $0x8000  }
0x119: {  	[sflag:s10] =	ssyncset.done $0x0  }
0x11a: {  	s0 =	rddreg [dreg:$0xe];
	[sflag:s10] =	ssyncadd.s32 $0xFFFF8000  }
0x11b: {  	[hbm4b:s0+s2] =	stream.linear.scatter [tilespmem:s7], [sflag:$0x3], $0x8000, $0x38;
	[tilespmem:$0x14000] =	vst v63  }
0x11c: {  	_ =	swait.ge [sflag:s3], $0x8000  }
0x11d: {  	[sflag:s3] =	ssyncset.done $0x0  }
0x11e: {  	[sflag:s3] =	ssyncadd.s32 $0xFFFF8000  }
0x11f: {  	[tilespmem:s7], [sflag:$0x2] =	stream.indirect.gather [hbm4b:s4+s5], $0x20, s21, s5, $0xb8;
	[tilespmem:$0x14000] =	vst v63  }
0x120: {  	_ =	swait.ge [sflag:s8], $0x8000  }
0x121: {  	[sflag:s8] =	ssyncset.done $0x0  }
0x122: {  	s0 =	rddreg [dreg:$0xf];
	[sflag:s8] =	ssyncadd.s32 $0xFFFF8000  }
0x123: {  	[hbm4b:s0+s2] =	stream.linear.scatter [tilespmem:s6], [sflag:$0x3], $0x8000, $0x38;
	[tilespmem:$0x14000] =	vst v63  }
0x124: {  	_ =	swait.ge [sflag:s3], $0x8000  }
0x125: {  	[sflag:s3] =	ssyncset.done $0x0  }
0x126: {  	[sflag:s3] =	ssyncadd.s32 $0xFFFF8000  }
0x127: {  	[tilespmem:s6], [sflag:$0x1] =	stream.indirect.gather [hbm4b:s4+s5], $0x20, s22, s5, $0xb8;
	[tilespmem:$0x14000] =	vst v63  }
0x128: {  	_ =	swait.ge [sflag:s10], $0x8000  }
0x129: {  	[sflag:s10] =	ssyncset.done $0x0  }
0x12a: {  	s0 =	rddreg [dreg:$0x10];
	[sflag:s10] =	ssyncadd.s32 $0xFFFF8000  }
0x12b: {  	[hbm4b:s0+s2] =	stream.linear.scatter [tilespmem:s7], [sflag:$0x3], $0x8000, $0x38;
	[tilespmem:$0x14000] =	vst v63  }
0x12c: {  	_ =	swait.ge [sflag:s3], $0x8000  }
0x12d: {  	[sflag:s3] =	ssyncset.done $0x0  }
0x12e: {  	[sflag:s3] =	ssyncadd.s32 $0xFFFF8000  }
0x12f: {  	[tilespmem:s7], [sflag:$0x2] =	stream.indirect.gather [hbm4b:s4+s5], $0x20, s23, s5, $0xb8;
	[tilespmem:$0x14000] =	vst v63  }
0x130: {  	_ =	swait.ge [sflag:s8], $0x8000  }
0x131: {  	[sflag:s8] =	ssyncset.done $0x0  }
0x132: {  	[sflag:s8] =	ssyncadd.s32 $0xFFFF8000  }
0x133: {  	[hbm4b:s24+s2] =	stream.linear.scatter [tilespmem:s6], [sflag:$0x3], $0x8000, $0x38;
	[tilespmem:$0x14000] =	vst v63  }
0x134: {  	_ =	swait.ge [sflag:s3], $0x8000  }
0x135: {  	[sflag:s3] =	ssyncset.done $0x0  }
0x136: {  	[sflag:s3] =	ssyncadd.s32 $0xFFFF8000  }
0x137: {  	_ =	swait.ge [sflag:s10], $0x8000  }
0x138: {  	[sflag:s10] =	ssyncset.done $0x0  }
0x139: {  	[sflag:s10] =	ssyncadd.s32 $0xFFFF8000  }
0x13a: {  	[hbm4b:s25+s2] =	stream.linear.scatter [tilespmem:s7], [sflag:$0x3], $0x8000, $0x38;
	[tilespmem:$0x14000] =	vst v63  }
0x13b: {  	_ =	swait.ge [sflag:s3], $0x8000  }
0x13c: {  	[sflag:s3] =	ssyncset.done $0x0  }
0x13d: {  	[sflag:s3] =	ssyncadd.s32 $0xFFFF8000  }
0x13e: {  	[tilespmem:s2], [sflag:$0x3] =	stream.linear.gather [hbm4b:s26+s2], $0xC00, $0x38;
	[tilespmem:$0x14000] =	vst v63  }
0x13f: {  	_ =	swait.ge [sflag:s3], $0xC00  }
0x140: {  	[sflag:s3] =	ssyncset.done $0x0  }
0x141: {  	[sflag:s3] =	ssyncadd.s32 $0xFFFFF400  }
0x142: {  	[tilespmem:s6], [sflag:$0x1] =	stream.indirect.gather [hbm4b:s28+s5], $0x20, s2, s5, $0xb8;
	[tilespmem:$0x14000] =	vst v63  }
0x143: {  	_ = 	snop  }
0x144: {  	[tilespmem:s7], [sflag:$0x2] =	stream.indirect.gather [hbm4b:s28+s5], $0x20, s5, s5, $0xb8;
	[tilespmem:$0x14000] =	vst v63  }
0x145: {  	_ =	swait.ge [sflag:s8], $0x8000  }
0x146: {  	[sflag:s8] =	ssyncset.done $0x0  }
0x147: {  	[sflag:s8] =	ssyncadd.s32 $0xFFFF8000  }
0x148: {  	[hbm4b:s29+s2] =	stream.linear.scatter [tilespmem:s6], [sflag:$0x3], $0x8000, $0x38;
	[tilespmem:$0x14000] =	vst v63  }
0x149: {  	_ =	swait.ge [sflag:s3], $0x8000  }
0x14a: {  	[sflag:s3] =	ssyncset.done $0x0  }
0x14b: {  	[sflag:s3] =	ssyncadd.s32 $0xFFFF8000  }
0x14c: {  	[tilespmem:s6], [sflag:$0x1] =	stream.indirect.gather [hbm4b:s28+s5], $0x20, s9, s5, $0xb8;
	[tilespmem:$0x14000] =	vst v63  }
0x14d: {  	_ =	swait.ge [sflag:s10], $0x8000  }
0x14e: {  	[sflag:s10] =	ssyncset.done $0x0  }
0x14f: {  	[sflag:s10] =	ssyncadd.s32 $0xFFFF8000  }
0x150: {  	[hbm4b:s30+s2] =	stream.linear.scatter [tilespmem:s7], [sflag:$0x3], $0x8000, $0x38;
	[tilespmem:$0x14000] =	vst v63  }
0x151: {  	_ =	swait.ge [sflag:s3], $0x8000  }
0x152: {  	[sflag:s3] =	ssyncset.done $0x0  }
0x153: {  	p0 =	sne.s32 s1, $0x1;
	[sflag:s3] =	ssyncadd.s32 $0xFFFF8000  }
.Ltmp1:
0x154: {  	_ =	swait.ge [sflag:s8], $0x8000;
	(pc) =	sbr.rel @p0 .LBB2_1-.Ltmp1, $4  }
0x155: {  	[sflag:s8] =	ssyncset.done $0x0  }
0x156: {  	[sflag:s8] =	ssyncadd.s32 $0xFFFF8000  }
0x157: {  	[hbm4b:s31+s2] =	stream.linear.scatter [tilespmem:s6], [sflag:$0x3], $0x8000, $0x38;
	[tilespmem:$0x14000] =	vst v63  }
0x158: {  	s1 =	sadd.s32 $0xFFFFFFFF, s1;
	_ =	swait.ge [sflag:s3], $0x8000  }
.LBB2_2:
0x159: {  	[sflag:s3] =	ssyncset.done $0x0  }
0x15a: {  	[sflag:s3] =	ssyncadd.s32 $0xFFFF8000  }
0x15b: {  	_ =	sfence.sel $0x180000  }
0x15c: {  	[bflag:$0x0] =	sbarrier.arrive $0xFFFF  }
0x15d: {  	_ =	strace $0x90000047  }
0x15e: {  	s0 =	stileid.u32;
	[bflag:$0x2] =	sbarrier.arrive $0xFFFF  }
0x15f: {  	p0 =	sne.s32 s0, $0x0;
	s0 =	rddreg [dreg:$0x1]  }
0x160: {  	s0 =	sadd.s32 @!p0 $0x100000, s0  }
0x161: {  	[sflag:s0] =	ssyncadd.tile.s32 @!p0 $0x1;
	_ =	shalt  }
.Lfunc_end2:
_tile_overlayer_lowered:
.L_overlay_start_2:
0x162: {  	(tag) =	ssettag $0x2  }
0x163: {  	s0 =	rddreg [dreg:$0x0];
	s2 =	stileid.u32  }
0x164: {  	s1 =	rddreg [dreg:$0x1];
	p0 =	sne.s32 s2, $0x0  }
0x165: {  	s3 =	rddreg [dreg:$0x2];
	[bflag:$0x3] =	sbarrier.arrive $0xFFFF;
	s2 =	simm.s32 @!p0 $0x1C03  }
0x166: {  	[timem:s3], [sflag:s2] =	dma.local @!p0 [hbm:s0], s1  }
0x167: {  	s0 =	simm.s32 @!p0 $0x3  }
0x168: {  	_ =	swait.ge @!p0 [sflag:s0], s1  }
0x169: {  	s1 =	ssub.s32 @!p0 $0x0, s1;
	[sflag:s0] =	ssyncset.done @!p0 $0x0  }
0x16a: {  	[sflag:s0] =	ssyncadd.s32 @!p0 s1  }
0x16b: {  	[bflag:$0x3] =	sbarrier.arrive $0xFFFF  }
0x16c: {  	_ =	shalt  }

</sc_bundles>
